<compile_context>
chip_gen: v7x
topology: tpu7x:2x2x1
jax: 0.10.2.dev20260603
libtpu: 0.0.44.dev20260713+nightly
codegen_flags: <defaults>
</compile_context>

<pallas_src>
import functools

import jax
import jax.numpy as jnp
from jax import lax
from jax.experimental import pallas as pl
from jax.experimental.pallas import tpu as pltpu
from jax.experimental.pallas import tpu_sc as plsc

N = 10000
E = 320000
D = 128
DV = 64
DW = 80
NPAD = 10240
NC = 2
NS = 16
NW = NC * NS
CHUNK = 128
CPW = 80
EPAD = NW * CPW * CHUNK
ROWS_PER_SUB = NPAD // NS



def _tc1_body(fb, awp, awb, vww, vwb, v80_o, abt_o):
    f = fb[...]
    v = jnp.dot(f, vww[...], preferred_element_type=jnp.float32) + vwb[...]
    sp = jnp.maximum(v, 0.0) + jnp.log(1.0 + jnp.exp(-jnp.abs(v)))
    mv = v * jnp.tanh(sp)
    ones = jnp.ones((f.shape[0], DW - DV), jnp.float32)
    v80_o[...] = jnp.concatenate([mv, ones], axis=1)
    ab = lax.dot_general(awp[...], f, (((1,), (1,)), ((), ())),
                         preferred_element_type=jnp.float32)
    abt_o[...] = ab + awb[...]


def _tc1(featp, awp, awb, vww, vwb):
    nb = NPAD // 1024
    return pl.pallas_call(
        _tc1_body,
        grid=(nb,),
        in_specs=[
            pl.BlockSpec((1024, D), lambda i: (i, 0)),
            pl.BlockSpec((2, D), lambda i: (0, 0)),
            pl.BlockSpec((1, 1), lambda i: (0, 0)),
            pl.BlockSpec((D, DV), lambda i: (0, 0)),
            pl.BlockSpec((1, DV), lambda i: (0, 0)),
        ],
        out_specs=[
            pl.BlockSpec((1024, DW), lambda i: (i, 0)),
            pl.BlockSpec((2, 1024), lambda i: (0, i)),
        ],
        out_shape=[
            jax.ShapeDtypeStruct((NPAD, DW), jnp.float32),
            jax.ShapeDtypeStruct((2, NPAD), jnp.float32),
        ],
    )(featp, awp, awb, vww, vwb)



def _scw_body(abt_h, sd_h, w_h, asrc_v, adst_v, meta_v, wout_v):
    cid = lax.axis_index("c")
    sid = lax.axis_index("s")
    wid = cid * NS + sid

    pltpu.sync_copy(abt_h.at[0], asrc_v)
    pltpu.sync_copy(abt_h.at[1], adst_v)
    pltpu.sync_copy(sd_h.at[wid], meta_v)

    def chunk(c, carry):
        @plsc.parallel_loop(0, CHUNK, step=16)
        def _wgroup(e):
            si = meta_v[c, 0, pl.ds(e, 16)]
            di = meta_v[c, 1, pl.ds(e, 16)]
            x = plsc.load_gather(asrc_v, [si]) + plsc.load_gather(adst_v, [di])
            s = 1.0 / (1.0 + jnp.exp(-x))
            wout_v[c, pl.ds(e, 16)] = jnp.exp(s)
        return carry

    lax.fori_loop(0, CPW, chunk, 0)
    pltpu.sync_copy(wout_v, w_h.at[wid])


def _sc_weights(abt, sd):
    mesh = plsc.VectorSubcoreMesh(core_axis_name="c", subcore_axis_name="s")
    f = pl.kernel(
        _scw_body,
        out_type=jax.ShapeDtypeStruct((NW, CPW, CHUNK), jnp.float32),
        mesh=mesh,
        compiler_params=pltpu.CompilerParams(
            needs_layout_passes=False, use_tc_tiling_on_sc=False),
        scratch_types=[
            pltpu.VMEM((NPAD,), jnp.float32),
            pltpu.VMEM((NPAD,), jnp.float32),
            pltpu.VMEM((CPW, 2, CHUNK), jnp.int32),
            pltpu.VMEM((CPW, CHUNK), jnp.float32),
        ],
    )
    return f(abt, sd)



def _sc_body(v80_h, sd_h, w_h, out_h,
             sd0, sd1, w0, w1, msg0, msg1, drow0, drow1, v_sh, acc_sh,
             gsem0, gsem1, msem0, msem1, ssem0, ssem1):
    cid = lax.axis_index("c")
    sid = lax.axis_index("s")
    wid = cid * NS + sid
    sds = (sd0, sd1)
    ws = (w0, w1)
    msgs = (msg0, msg1)
    drows = (drow0, drow1)
    gsems = (gsem0, gsem1)
    msems = (msem0, msem1)
    ssems = (ssem0, ssem1)

    pltpu.sync_copy(v80_h.at[pl.ds(sid * ROWS_PER_SUB, ROWS_PER_SUB)],
                    v_sh.at[pl.ds(sid * ROWS_PER_SUB, ROWS_PER_SUB)])
    pltpu.sync_copy(sd_h.at[wid, 0], sd0.at[0])
    pltpu.sync_copy(w_h.at[wid, 0], w0.at[0])
    pltpu.async_copy(sd_h.at[wid, 1], sd1.at[0], msem1)
    pltpu.async_copy(w_h.at[wid, 1], w1.at[0], msem1)

    zero = jnp.zeros((16,), jnp.float32)

    @plsc.parallel_loop(0, CHUNK)
    def _zrow(r):
        for g in range(DW // 16):
            msg1[r, pl.ds(g * 16, 16)] = zero

    for k in range(ROWS_PER_SUB // CHUNK):
        pltpu.sync_copy(msg1, acc_sh.at[pl.ds(sid * ROWS_PER_SUB + k * CHUNK, CHUNK)])
    plsc.subcore_barrier()

    pltpu.async_copy(v_sh.at[sd0.at[0, 0]], msg0, gsem0)

    def outer(c2, carry):
        for b in range(2):
            c = 2 * c2 + b
            o = 1 - b

            pltpu.make_async_copy(v_sh.at[sds[b].at[0, 0]], msgs[b], gsems[b]).wait()

            @pl.when((c > 0) & (c + 1 < CPW))
            def _wait_prev_scatter():
                pltpu.make_async_copy(
                    msgs[o], acc_sh.at[drows[o].at[0]], ssems[o]).wait()

            @pl.when(c + 1 < CPW)
            def _next_gather():
                pltpu.make_async_copy(sd_h.at[wid, 0], sds[o].at[0], msems[o]).wait()
                pltpu.make_async_copy(w_h.at[wid, 0], ws[o].at[0], msems[o]).wait()
                pltpu.async_copy(v_sh.at[sds[o].at[0, 0]], msgs[o], gsems[o])

            buf = msgs[b]
            wrow = ws[b]

            @plsc.parallel_loop(0, CHUNK, unroll=4)
            def _emul(e):
                wv = plsc.load_gather(wrow, [jnp.zeros((16,), jnp.int32),
                                             jnp.full((16,), e, jnp.int32)])
                for g in range(DW // 16):
                    buf[e, pl.ds(g * 16, 16)] = buf[e, pl.ds(g * 16, 16)] * wv

            dr = drows[b]
            for g in range(CHUNK // 16):
                dr[0, pl.ds(g * 16, 16)] = sds[b][0, 1, pl.ds(g * 16, 16)]

            pltpu.async_copy(buf, acc_sh.at[dr.at[0]], ssems[b], add=True)

            @pl.when(c + 2 < CPW)
            def _meta_prefetch():
                pltpu.async_copy(sd_h.at[wid, c + 2], sds[b].at[0], msems[b])
                pltpu.async_copy(w_h.at[wid, c + 2], ws[b].at[0], msems[b])
        return carry

    lax.fori_loop(0, CPW // 2, outer, 0)

    pltpu.make_async_copy(msg0, acc_sh.at[drow0.at[0]], ssem0).wait()
    pltpu.make_async_copy(msg1, acc_sh.at[drow1.at[0]], ssem1).wait()

    plsc.subcore_barrier()
    pltpu.sync_copy(acc_sh.at[pl.ds(sid * ROWS_PER_SUB, ROWS_PER_SUB)],
                    out_h.at[cid, pl.ds(sid * ROWS_PER_SUB, ROWS_PER_SUB)])


def _sc_edges(v80, sd, w):
    mesh = plsc.VectorSubcoreMesh(core_axis_name="c", subcore_axis_name="s")
    f = pl.kernel(
        _sc_body,
        out_type=jax.ShapeDtypeStruct((NC, NPAD, DW), jnp.float32),
        mesh=mesh,
        compiler_params=pltpu.CompilerParams(
            needs_layout_passes=False, use_tc_tiling_on_sc=False),
        scratch_types=[
            pltpu.VMEM((1, 2, CHUNK), jnp.int32),
            pltpu.VMEM((1, 2, CHUNK), jnp.int32),
            pltpu.VMEM((1, CHUNK), jnp.float32),
            pltpu.VMEM((1, CHUNK), jnp.float32),
            pltpu.VMEM((CHUNK, DW), jnp.float32),
            pltpu.VMEM((CHUNK, DW), jnp.float32),
            pltpu.VMEM((1, CHUNK), jnp.int32),
            pltpu.VMEM((1, CHUNK), jnp.int32),
            pltpu.VMEM_SHARED((NPAD, DW), jnp.float32),
            pltpu.VMEM_SHARED((NPAD, DW), jnp.float32),
            pltpu.SemaphoreType.DMA,
            pltpu.SemaphoreType.DMA,
            pltpu.SemaphoreType.DMA,
            pltpu.SemaphoreType.DMA,
            pltpu.SemaphoreType.DMA,
            pltpu.SemaphoreType.DMA,
        ],
    )
    return f(v80, sd, w)



def _tc2_body(acc_b, h_o):
    x = acc_b[0] + acc_b[1]
    num = x[:, :DV]
    den = x[:, DV:DV + 1]
    den = jnp.where(den > 0.0, den, 1.0)
    h_o[...] = num / den


def _tc2(acc):
    nb = NPAD // 1024
    return pl.pallas_call(
        _tc2_body,
        grid=(nb,),
        in_specs=[pl.BlockSpec((2, 1024, DW), lambda i: (0, i, 0))],
        out_specs=pl.BlockSpec((1024, DV), lambda i: (i, 0)),
        out_shape=jax.ShapeDtypeStruct((NPAD, DV), jnp.float32),
    )(acc)



def kernel(feat, edge_index, aw_w, aw_b, vw_w, vw_b):
    featp = jnp.pad(feat, ((0, NPAD - N), (0, 0)))
    awp = aw_w.reshape(2, D)
    awb = (0.5 * aw_b).reshape(1, 1)
    vwb = vw_b.reshape(1, DV)
    v80, abt = _tc1(featp, awp, awb, vw_w, vwb)

    src = edge_index[0]
    dst = edge_index[1]
    pad = EPAD - E
    srcc = jnp.concatenate([src, jnp.zeros((pad,), jnp.int32)]).reshape(NW, CPW, 1, CHUNK)
    dstc = jnp.concatenate([dst, jnp.full((pad,), N, jnp.int32)]).reshape(NW, CPW, 1, CHUNK)
    sd = jnp.concatenate([srcc, dstc], axis=2)

    w = _sc_weights(abt, sd)
    acc = _sc_edges(v80, sd, w)
    h = _tc2(acc)
    return h[:N]

# --- scband reference (transcript-rebuilt; emitter-appended) ---
"""Pipeline reference for scband-simple-gat-3839700762909 (READ-ONLY COPY).

The authoritative reference and input builder live on the scoring server;
editing this copy changes nothing except your own understanding.
"""

import jax, jax.numpy as jnp
import numpy as np

N = 10000
E = 320000
D = 128

def setup_inputs(seed: int = 0):
    key = jax.random.key(seed)
    k1, k2, k3, k4 = jax.random.split(key, 4)
    feat = jax.random.normal(k1, (N, D), dtype=jnp.float32)
    edge_index = jax.random.randint(k2, (2, E), 0, N, dtype=jnp.int32)
    # aw: nn.Linear(2*D, 1); vw.linear: nn.Linear(D, D//2)
    aw_w = jax.random.normal(k3, (2 * D, 1), dtype=jnp.float32) / np.sqrt(2 * D)
    aw_b = jnp.zeros((1,), dtype=jnp.float32)
    vw_w = jax.random.normal(k4, (D, D // 2), dtype=jnp.float32) / np.sqrt(D)
    vw_b = jnp.zeros((D // 2,), dtype=jnp.float32)
    return {"feat": feat, "edge_index": edge_index, "aw_w": aw_w, "aw_b": aw_b, "vw_w": vw_w, "vw_b": vw_b}

def mish(x):
    return x * jnp.tanh(jax.nn.softplus(x))

def reference(feat, edge_index, aw_w, aw_b, vw_w, vw_b):
    src = edge_index[0]
    dst = edge_index[1]
    n = feat.shape[0]
    # apply_edges copy_u / v_add_e(zeros) -> src and dst node features per edge
    e_src = feat[src]
    e_dst = feat[dst]
    cat = jnp.concatenate([e_src, e_dst], axis=-1)  # [E, 2D]
    s = jax.nn.sigmoid(cat @ aw_w + aw_b)  # [E, 1]
    # edge_softmax over incoming edges per destination node
    mx = jax.ops.segment_max(s, dst, num_segments=n)
    ex = jnp.exp(s - mx[dst])
    denom = jax.ops.segment_sum(ex, dst, num_segments=n)
    a = ex / denom[dst]  # [E, 1]
    # vw: Dense(D, D//2, act='mish', bn=False, dropout eval-mode identity)
    v = mish(feat @ vw_w + vw_b)  # [N, D//2]
    msg = v[src] * a  # [E, D//2]
    h = jax.ops.segment_sum(msg, dst, num_segments=n)  # [N, D//2]
    return h

if __name__ == "__main__":
    import jax
    _d = setup_inputs()
    print(jax.jit(kernel)(*tuple(_d.values())))

</pallas_src>

<mosaic_0001>
#map = affine_map<(d0, d1) -> (0, 0)>
#map1 = affine_map<(d0, d1) -> (0, 0, 0, 0)>
#map2 = affine_map<(d0, d1) -> (0, 0, 0)>
module attributes {stable_mosaic.version = 14 : i64} {
  func.func @_scw_body(%arg0: i32, %arg1: i32, %arg2: memref<2x10240xf32, #tpu.memory_space<hbm>>, %arg3: memref<32x80x2x128xi32, #tpu.memory_space<hbm>>, %arg4: memref<32x80x128xf32, #tpu.memory_space<hbm>>, %arg5: memref<10240xf32, #tpu.memory_space<vmem>>, %arg6: memref<10240xf32, #tpu.memory_space<vmem>>, %arg7: memref<80x2x128xi32, #tpu.memory_space<vmem>>, %arg8: memref<80x128xf32, #tpu.memory_space<vmem>>) attributes {dimension_semantics = [#tpu.dimension_semantics<core_parallel>, #tpu.dimension_semantics<subcore_parallel>], iteration_bounds = array<i64: 2, 16>, scalar_prefetch = 0 : i64, scratch_operands = 4 : i64, tpu.core_type = #tpu.core_type<sc_vector_subcore>, window_params = [{transform_indices = #map}, {transform_indices = #map1}, {transform_indices = #map2}]} {
    %mul3A = arith.constant 16 : i32
    %mul3A_0 = arith.muli %arg0, %mul3A : i32
    %add3A = arith.addi %mul3A_0, %arg1 : i32
    %run_scoped3A = arith.constant 0 : i32
    "tpu.region"() ({
      %run_scoped3A_7 = tpu.sem_alloc : memref<!tpu.dma_semaphore, #tpu.memory_space<semaphore_mem>>
      %dma_start3A = arith.constant 0 : i32
      %dma_start3A_8 = tpu.memref_slice %arg2[%run_scoped3A, %dma_start3A] : memref<2x10240xf32, #tpu.memory_space<hbm>> -> memref<1x10240xf32, #tpu.memory_space<hbm>>
      %dma_start3A_9 = tpu.memref_squeeze %dma_start3A_8 : memref<1x10240xf32, #tpu.memory_space<hbm>> -> memref<10240xf32, #tpu.memory_space<hbm>>
      %dma_start3A_10 = arith.constant 0 : i32
      %dma_start3A_11 = tpu.memref_slice %arg2[%run_scoped3A, %dma_start3A_10] : memref<2x10240xf32, #tpu.memory_space<hbm>> -> memref<1x10240xf32, #tpu.memory_space<hbm>>
      %dma_start3A_12 = tpu.memref_squeeze %dma_start3A_11 : memref<1x10240xf32, #tpu.memory_space<hbm>> -> memref<10240xf32, #tpu.memory_space<hbm>>
      tpu.enqueue_dma source(%dma_start3A_12 : memref<10240xf32, #tpu.memory_space<hbm>>) target(%arg5 : memref<10240xf32, #tpu.memory_space<vmem>>) target_semaphore(%run_scoped3A_7 : memref<!tpu.dma_semaphore, #tpu.memory_space<semaphore_mem>>)
      %dma_wait3A = arith.constant 0 : i32
      %dma_wait3A_13 = tpu.memref_slice %arg2[%run_scoped3A, %dma_wait3A] : memref<2x10240xf32, #tpu.memory_space<hbm>> -> memref<1x10240xf32, #tpu.memory_space<hbm>>
      %dma_wait3A_14 = tpu.memref_squeeze %dma_wait3A_13 : memref<1x10240xf32, #tpu.memory_space<hbm>> -> memref<10240xf32, #tpu.memory_space<hbm>>
      %dma_wait3A_15 = arith.constant 0 : i32
      %dma_wait3A_16 = tpu.memref_slice %arg2[%run_scoped3A, %dma_wait3A_15] : memref<2x10240xf32, #tpu.memory_space<hbm>> -> memref<1x10240xf32, #tpu.memory_space<hbm>>
      %dma_wait3A_17 = tpu.memref_squeeze %dma_wait3A_16 : memref<1x10240xf32, #tpu.memory_space<hbm>> -> memref<10240xf32, #tpu.memory_space<hbm>>
      tpu.wait_dma2 semaphore(%run_scoped3A_7 : memref<!tpu.dma_semaphore, #tpu.memory_space<semaphore_mem>>) src(%dma_wait3A_17 : memref<10240xf32, #tpu.memory_space<hbm>>) dst(%arg5 : memref<10240xf32, #tpu.memory_space<vmem>>)
      tpu.yield
    }) : () -> ()
    %run_scoped3A_1 = arith.constant 1 : i32
    "tpu.region"() ({
      %run_scoped3A_7 = tpu.sem_alloc : memref<!tpu.dma_semaphore, #tpu.memory_space<semaphore_mem>>
      %dma_start3A = arith.constant 0 : i32
      %dma_start3A_8 = tpu.memref_slice %arg2[%run_scoped3A_1, %dma_start3A] : memref<2x10240xf32, #tpu.memory_space<hbm>> -> memref<1x10240xf32, #tpu.memory_space<hbm>>
      %dma_start3A_9 = tpu.memref_squeeze %dma_start3A_8 : memref<1x10240xf32, #tpu.memory_space<hbm>> -> memref<10240xf32, #tpu.memory_space<hbm>>
      %dma_start3A_10 = arith.constant 0 : i32
      %dma_start3A_11 = tpu.memref_slice %arg2[%run_scoped3A_1, %dma_start3A_10] : memref<2x10240xf32, #tpu.memory_space<hbm>> -> memref<1x10240xf32, #tpu.memory_space<hbm>>
      %dma_start3A_12 = tpu.memref_squeeze %dma_start3A_11 : memref<1x10240xf32, #tpu.memory_space<hbm>> -> memref<10240xf32, #tpu.memory_space<hbm>>
      tpu.enqueue_dma source(%dma_start3A_12 : memref<10240xf32, #tpu.memory_space<hbm>>) target(%arg6 : memref<10240xf32, #tpu.memory_space<vmem>>) target_semaphore(%run_scoped3A_7 : memref<!tpu.dma_semaphore, #tpu.memory_space<semaphore_mem>>)
      %dma_wait3A = arith.constant 0 : i32
      %dma_wait3A_13 = tpu.memref_slice %arg2[%run_scoped3A_1, %dma_wait3A] : memref<2x10240xf32, #tpu.memory_space<hbm>> -> memref<1x10240xf32, #tpu.memory_space<hbm>>
      %dma_wait3A_14 = tpu.memref_squeeze %dma_wait3A_13 : memref<1x10240xf32, #tpu.memory_space<hbm>> -> memref<10240xf32, #tpu.memory_space<hbm>>
      %dma_wait3A_15 = arith.constant 0 : i32
      %dma_wait3A_16 = tpu.memref_slice %arg2[%run_scoped3A_1, %dma_wait3A_15] : memref<2x10240xf32, #tpu.memory_space<hbm>> -> memref<1x10240xf32, #tpu.memory_space<hbm>>
      %dma_wait3A_17 = tpu.memref_squeeze %dma_wait3A_16 : memref<1x10240xf32, #tpu.memory_space<hbm>> -> memref<10240xf32, #tpu.memory_space<hbm>>
      tpu.wait_dma2 semaphore(%run_scoped3A_7 : memref<!tpu.dma_semaphore, #tpu.memory_space<semaphore_mem>>) src(%dma_wait3A_17 : memref<10240xf32, #tpu.memory_space<hbm>>) dst(%arg6 : memref<10240xf32, #tpu.memory_space<vmem>>)
      tpu.yield
    }) : () -> ()
    "tpu.region"() ({
      %run_scoped3A_7 = tpu.sem_alloc : memref<!tpu.dma_semaphore, #tpu.memory_space<semaphore_mem>>
      %dma_start3A = arith.constant 0 : i32
      %dma_start3A_8 = arith.constant 0 : i32
      %dma_start3A_9 = arith.constant 0 : i32
      %dma_start3A_10 = tpu.memref_slice %arg3[%add3A, %dma_start3A, %dma_start3A_8, %dma_start3A_9] : memref<32x80x2x128xi32, #tpu.memory_space<hbm>> -> memref<1x80x2x128xi32, #tpu.memory_space<hbm>>
      %dma_start3A_11 = tpu.memref_squeeze %dma_start3A_10 : memref<1x80x2x128xi32, #tpu.memory_space<hbm>> -> memref<80x2x128xi32, #tpu.memory_space<hbm>>
      %dma_start3A_12 = arith.constant 0 : i32
      %dma_start3A_13 = arith.constant 0 : i32
      %dma_start3A_14 = arith.constant 0 : i32
      %dma_start3A_15 = tpu.memref_slice %arg3[%add3A, %dma_start3A_12, %dma_start3A_13, %dma_start3A_14] : memref<32x80x2x128xi32, #tpu.memory_space<hbm>> -> memref<1x80x2x128xi32, #tpu.memory_space<hbm>>
      %dma_start3A_16 = tpu.memref_squeeze %dma_start3A_15 : memref<1x80x2x128xi32, #tpu.memory_space<hbm>> -> memref<80x2x128xi32, #tpu.memory_space<hbm>>
      tpu.enqueue_dma source(%dma_start3A_16 : memref<80x2x128xi32, #tpu.memory_space<hbm>>) target(%arg7 : memref<80x2x128xi32, #tpu.memory_space<vmem>>) target_semaphore(%run_scoped3A_7 : memref<!tpu.dma_semaphore, #tpu.memory_space<semaphore_mem>>)
      %dma_wait3A = arith.constant 0 : i32
      %dma_wait3A_17 = arith.constant 0 : i32
      %dma_wait3A_18 = arith.constant 0 : i32
      %dma_wait3A_19 = tpu.memref_slice %arg3[%add3A, %dma_wait3A, %dma_wait3A_17, %dma_wait3A_18] : memref<32x80x2x128xi32, #tpu.memory_space<hbm>> -> memref<1x80x2x128xi32, #tpu.memory_space<hbm>>
      %dma_wait3A_20 = tpu.memref_squeeze %dma_wait3A_19 : memref<1x80x2x128xi32, #tpu.memory_space<hbm>> -> memref<80x2x128xi32, #tpu.memory_space<hbm>>
      %dma_wait3A_21 = arith.constant 0 : i32
      %dma_wait3A_22 = arith.constant 0 : i32
      %dma_wait3A_23 = arith.constant 0 : i32
      %dma_wait3A_24 = tpu.memref_slice %arg3[%add3A, %dma_wait3A_21, %dma_wait3A_22, %dma_wait3A_23] : memref<32x80x2x128xi32, #tpu.memory_space<hbm>> -> memref<1x80x2x128xi32, #tpu.memory_space<hbm>>
      %dma_wait3A_25 = tpu.memref_squeeze %dma_wait3A_24 : memref<1x80x2x128xi32, #tpu.memory_space<hbm>> -> memref<80x2x128xi32, #tpu.memory_space<hbm>>
      tpu.wait_dma2 semaphore(%run_scoped3A_7 : memref<!tpu.dma_semaphore, #tpu.memory_space<semaphore_mem>>) src(%dma_wait3A_25 : memref<80x2x128xi32, #tpu.memory_space<hbm>>) dst(%arg7 : memref<80x2x128xi32, #tpu.memory_space<vmem>>)
      tpu.yield
    }) : () -> ()
    %scan3A = arith.constant 0 : i32
    %scan3A_2 = arith.constant 0 : i32
    %scan3A_3 = arith.constant 80 : i32
    %scan3A_4 = arith.addi %scan3A_2, %scan3A_3 : i32
    %scan3A_5 = arith.constant 1 : i32
    scf.for %scan3A_7 = %scan3A_2 to %scan3A_4 step %scan3A_5  : i32 {
      %parallel_loop3A = arith.constant 0 : i32
      %parallel_loop3A_8 = arith.constant 128 : i32
      %parallel_loop3A_9 = arith.constant 16 : i32
      scf.for %parallel_loop3A_10 = %parallel_loop3A to %parallel_loop3A_8 step %parallel_loop3A_9  : i32 {
        %parallel_loop3A_11 = arith.constant 0 : i32
        %parallel_loop3A_12 = arith.index_cast %scan3A_7 : i32 to index
        %parallel_loop3A_13 = arith.index_cast %parallel_loop3A_11 : i32 to index
        %parallel_loop3A_14 = arith.index_cast %parallel_loop3A_10 : i32 to index
        %parallel_loop3A_15 = tpu.vector_load %arg7[%parallel_loop3A_12, %parallel_loop3A_13, %parallel_loop3A_14] {strides = array<i32>} : memref<80x2x128xi32, #tpu.memory_space<vmem>>, vector<16xi32>,
        %parallel_loop3A_16 = arith.constant 1 : i32
        %parallel_loop3A_17 = arith.index_cast %scan3A_7 : i32 to index
        %parallel_loop3A_18 = arith.index_cast %parallel_loop3A_16 : i32 to index
        %parallel_loop3A_19 = arith.index_cast %parallel_loop3A_10 : i32 to index
        %parallel_loop3A_20 = tpu.vector_load %arg7[%parallel_loop3A_17, %parallel_loop3A_18, %parallel_loop3A_19] {strides = array<i32>} : memref<80x2x128xi32, #tpu.memory_space<vmem>>, vector<16xi32>,
        %parallel_loop3A_21 = tpu.vector_load_idx %arg5[%parallel_loop3A_15] : memref<10240xf32, #tpu.memory_space<vmem>>[vector<16xi32>], vector<16xf32>,
        %parallel_loop3A_22 = tpu.vector_load_idx %arg6[%parallel_loop3A_20] : memref<10240xf32, #tpu.memory_space<vmem>>[vector<16xi32>], vector<16xf32>,
        %parallel_loop3A_23 = arith.addf %parallel_loop3A_21, %parallel_loop3A_22 : vector<16xf32>
        %parallel_loop3A_24 = arith.constant 0.000000e+00 : f32
        %parallel_loop3A_25 = vector.broadcast %parallel_loop3A_24 : f32 to vector<16xf32>
        %parallel_loop3A_26 = arith.subf %parallel_loop3A_25, %parallel_loop3A_23 : vector<16xf32>
        %parallel_loop3A_27 = math.exp %parallel_loop3A_26 : vector<16xf32>
        %parallel_loop3A_28 = arith.constant 1.000000e+00 : f32
        %parallel_loop3A_29 = vector.broadcast %parallel_loop3A_28 : f32 to vector<16xf32>
        %parallel_loop3A_30 = arith.addf %parallel_loop3A_29, %parallel_loop3A_27 : vector<16xf32>
        %parallel_loop3A_31 = arith.constant 1.000000e+00 : f32
        %parallel_loop3A_32 = vector.broadcast %parallel_loop3A_31 : f32 to vector<16xf32>
        %parallel_loop3A_33 = arith.divf %parallel_loop3A_32, %parallel_loop3A_30 : vector<16xf32>
        %parallel_loop3A_34 = math.exp %parallel_loop3A_33 : vector<16xf32>
        %parallel_loop3A_35 = arith.index_cast %scan3A_7 : i32 to index
        %parallel_loop3A_36 = arith.index_cast %parallel_loop3A_10 : i32 to index
        %parallel_loop3A_37 = tpu.vector_load %arg8[%parallel_loop3A_35, %parallel_loop3A_36] {strides = array<i32>} : memref<80x128xf32, #tpu.memory_space<vmem>>, vector<16xf32>,
        tpu.vector_store %arg8[%parallel_loop3A_35, %parallel_loop3A_36], %parallel_loop3A_34 {strides = array<i32>} : memref<80x128xf32, #tpu.memory_space<vmem>>, vector<16xf32>,
      } {sc.loop_unroll_factor = 1 : i64, sc.parallel_access}
    }
    %scan3A_6 = arith.constant 80 : i32
    "tpu.region"() ({
      %run_scoped3A_7 = tpu.sem_alloc : memref<!tpu.dma_semaphore, #tpu.memory_space<semaphore_mem>>
      %dma_start3A = arith.constant 0 : i32
      %dma_start3A_8 = arith.constant 0 : i32
      %dma_start3A_9 = tpu.memref_slice %arg4[%add3A, %dma_start3A, %dma_start3A_8] : memref<32x80x128xf32, #tpu.memory_space<hbm>> -> memref<1x80x128xf32, #tpu.memory_space<hbm>>
      %dma_start3A_10 = tpu.memref_squeeze %dma_start3A_9 : memref<1x80x128xf32, #tpu.memory_space<hbm>> -> memref<80x128xf32, #tpu.memory_space<hbm>>
      %dma_start3A_11 = arith.constant 0 : i32
      %dma_start3A_12 = arith.constant 0 : i32
      %dma_start3A_13 = tpu.memref_slice %arg4[%add3A, %dma_start3A_11, %dma_start3A_12] : memref<32x80x128xf32, #tpu.memory_space<hbm>> -> memref<1x80x128xf32, #tpu.memory_space<hbm>>
      %dma_start3A_14 = tpu.memref_squeeze %dma_start3A_13 : memref<1x80x128xf32, #tpu.memory_space<hbm>> -> memref<80x128xf32, #tpu.memory_space<hbm>>
      tpu.enqueue_dma source(%arg8 : memref<80x128xf32, #tpu.memory_space<vmem>>) target(%dma_start3A_14 : memref<80x128xf32, #tpu.memory_space<hbm>>) target_semaphore(%run_scoped3A_7 : memref<!tpu.dma_semaphore, #tpu.memory_space<semaphore_mem>>)
      %dma_wait3A = arith.constant 0 : i32
      %dma_wait3A_15 = arith.constant 0 : i32
      %dma_wait3A_16 = tpu.memref_slice %arg4[%add3A, %dma_wait3A, %dma_wait3A_15] : memref<32x80x128xf32, #tpu.memory_space<hbm>> -> memref<1x80x128xf32, #tpu.memory_space<hbm>>
      %dma_wait3A_17 = tpu.memref_squeeze %dma_wait3A_16 : memref<1x80x128xf32, #tpu.memory_space<hbm>> -> memref<80x128xf32, #tpu.memory_space<hbm>>
      %dma_wait3A_18 = arith.constant 0 : i32
      %dma_wait3A_19 = arith.constant 0 : i32
      %dma_wait3A_20 = tpu.memref_slice %arg4[%add3A, %dma_wait3A_18, %dma_wait3A_19] : memref<32x80x128xf32, #tpu.memory_space<hbm>> -> memref<1x80x128xf32, #tpu.memory_space<hbm>>
      %dma_wait3A_21 = tpu.memref_squeeze %dma_wait3A_20 : memref<1x80x128xf32, #tpu.memory_space<hbm>> -> memref<80x128xf32, #tpu.memory_space<hbm>>
      tpu.wait_dma2 semaphore(%run_scoped3A_7 : memref<!tpu.dma_semaphore, #tpu.memory_space<semaphore_mem>>) src(%arg8 : memref<80x128xf32, #tpu.memory_space<vmem>>) dst(%dma_wait3A_21 : memref<80x128xf32, #tpu.memory_space<hbm>>)
      tpu.yield
    }) : () -> ()
    return
  }
}

#map = affine_map<(d0, d1) -> (0, 0)>
#map1 = affine_map<(d0, d1) -> (0, 0, 0, 0)>
#map2 = affine_map<(d0, d1) -> (0, 0, 0)>
module attributes {stable_mosaic.version = 14 : i64} {
  func.func @_sc_body(%arg0: i32, %arg1: i32, %arg2: memref<10240x80xf32, #tpu.memory_space<hbm>>, %arg3: memref<32x80x2x128xi32, #tpu.memory_space<hbm>>, %arg4: memref<32x80x128xf32, #tpu.memory_space<hbm>>, %arg5: memref<2x10240x80xf32, #tpu.memory_space<hbm>>, %arg6: memref<1x2x128xi32, #tpu.memory_space<vmem>>, %arg7: memref<1x2x128xi32, #tpu.memory_space<vmem>>, %arg8: memref<1x128xf32, #tpu.memory_space<vmem>>, %arg9: memref<1x128xf32, #tpu.memory_space<vmem>>, %arg10: memref<128x80xf32, #tpu.memory_space<vmem>>, %arg11: memref<128x80xf32, #tpu.memory_space<vmem>>, %arg12: memref<1x128xi32, #tpu.memory_space<vmem>>, %arg13: memref<1x128xi32, #tpu.memory_space<vmem>>, %arg14: memref<10240x80xf32, #tpu.memory_space<vmem_shared>>, %arg15: memref<10240x80xf32, #tpu.memory_space<vmem_shared>>, %arg16: memref<!tpu.dma_semaphore, #tpu.memory_space<semaphore_mem>>, %arg17: memref<!tpu.dma_semaphore, #tpu.memory_space<semaphore_mem>>, %arg18: memref<!tpu.dma_semaphore, #tpu.memory_space<semaphore_mem>>, %arg19: memref<!tpu.dma_semaphore, #tpu.memory_space<semaphore_mem>>, %arg20: memref<!tpu.dma_semaphore, #tpu.memory_space<semaphore_mem>>, %arg21: memref<!tpu.dma_semaphore, #tpu.memory_space<semaphore_mem>>) attributes {dimension_semantics = [#tpu.dimension_semantics<core_parallel>, #tpu.dimension_semantics<subcore_parallel>], iteration_bounds = array<i64: 2, 16>, scalar_prefetch = 0 : i64, scratch_operands = 16 : i64, tpu.core_type = #tpu.core_type<sc_vector_subcore>, window_params = [{transform_indices = #map}, {transform_indices = #map1}, {transform_indices = #map2}, {transform_indices = #map2}]} {
    %mul3A = arith.constant 16 : i32
    %mul3A_0 = arith.muli %arg0, %mul3A : i32
    %add3A = arith.addi %mul3A_0, %arg1 : i32
    %mul3A_1 = arith.constant 640 : i32
    %mul3A_2 = arith.muli %arg1, %mul3A_1 : i32
    %mul3A_3 = arith.constant 640 : i32
    %mul3A_4 = arith.muli %arg1, %mul3A_3 : i32
    "tpu.region"() ({
      %run_scoped3A_93 = tpu.sem_alloc : memref<!tpu.dma_semaphore, #tpu.memory_space<semaphore_mem>>
      %dma_start3A_94 = arith.constant 0 : i32
      %dma_start3A_95 = tpu.memref_slice %arg14[%mul3A_4, %dma_start3A_94] : memref<10240x80xf32, #tpu.memory_space<vmem_shared>> -> memref<640x80xf32, #tpu.memory_space<vmem_shared>>
      %dma_start3A_96 = arith.constant 0 : i32
      %dma_start3A_97 = tpu.memref_slice %arg2[%mul3A_2, %dma_start3A_96] : memref<10240x80xf32, #tpu.memory_space<hbm>> -> memref<640x80xf32, #tpu.memory_space<hbm>>
      tpu.enqueue_dma source(%dma_start3A_97 : memref<640x80xf32, #tpu.memory_space<hbm>>) target(%dma_start3A_95 : memref<640x80xf32, #tpu.memory_space<vmem_shared>>) target_semaphore(%run_scoped3A_93 : memref<!tpu.dma_semaphore, #tpu.memory_space<semaphore_mem>>)
      %dma_wait3A_98 = arith.constant 0 : i32
      %dma_wait3A_99 = tpu.memref_slice %arg14[%mul3A_4, %dma_wait3A_98] : memref<10240x80xf32, #tpu.memory_space<vmem_shared>> -> memref<640x80xf32, #tpu.memory_space<vmem_shared>>
      %dma_wait3A_100 = arith.constant 0 : i32
      %dma_wait3A_101 = tpu.memref_slice %arg2[%mul3A_2, %dma_wait3A_100] : memref<10240x80xf32, #tpu.memory_space<hbm>> -> memref<640x80xf32, #tpu.memory_space<hbm>>
      tpu.wait_dma2 semaphore(%run_scoped3A_93 : memref<!tpu.dma_semaphore, #tpu.memory_space<semaphore_mem>>) src(%dma_wait3A_101 : memref<640x80xf32, #tpu.memory_space<hbm>>) dst(%dma_wait3A_99 : memref<640x80xf32, #tpu.memory_space<vmem_shared>>)
      tpu.yield
    }) : () -> ()
    %run_scoped3A = arith.constant 0 : i32
    %run_scoped3A_5 = arith.constant 0 : i32
    "tpu.region"() ({
      %run_scoped3A_93 = tpu.sem_alloc : memref<!tpu.dma_semaphore, #tpu.memory_space<semaphore_mem>>
      %dma_start3A_94 = arith.constant 0 : i32
      %dma_start3A_95 = arith.constant 0 : i32
      %dma_start3A_96 = tpu.memref_slice %arg6[%run_scoped3A_5, %dma_start3A_94, %dma_start3A_95] : memref<1x2x128xi32, #tpu.memory_space<vmem>> -> memref<1x2x128xi32, #tpu.memory_space<vmem>>
      %dma_start3A_97 = tpu.memref_squeeze %dma_start3A_96 : memref<1x2x128xi32, #tpu.memory_space<vmem>> -> memref<2x128xi32, #tpu.memory_space<vmem>>
      %dma_start3A_98 = arith.constant 0 : i32
      %dma_start3A_99 = arith.constant 0 : i32
      %dma_start3A_100 = tpu.memref_slice %arg3[%add3A, %run_scoped3A, %dma_start3A_98, %dma_start3A_99] : memref<32x80x2x128xi32, #tpu.memory_space<hbm>> -> memref<1x1x2x128xi32, #tpu.memory_space<hbm>>
      %dma_start3A_101 = tpu.memref_squeeze %dma_start3A_100 : memref<1x1x2x128xi32, #tpu.memory_space<hbm>> -> memref<2x128xi32, #tpu.memory_space<hbm>>
      %dma_start3A_102 = arith.constant 0 : i32
      %dma_start3A_103 = arith.constant 0 : i32
      %dma_start3A_104 = tpu.memref_slice %arg6[%run_scoped3A_5, %dma_start3A_102, %dma_start3A_103] : memref<1x2x128xi32, #tpu.memory_space<vmem>> -> memref<1x2x128xi32, #tpu.memory_space<vmem>>
      %dma_start3A_105 = tpu.memref_squeeze %dma_start3A_104 : memref<1x2x128xi32, #tpu.memory_space<vmem>> -> memref<2x128xi32, #tpu.memory_space<vmem>>
      %dma_start3A_106 = arith.constant 0 : i32
      %dma_start3A_107 = arith.constant 0 : i32
      %dma_start3A_108 = tpu.memref_slice %arg3[%add3A, %run_scoped3A, %dma_start3A_106, %dma_start3A_107] : memref<32x80x2x128xi32, #tpu.memory_space<hbm>> -> memref<1x1x2x128xi32, #tpu.memory_space<hbm>>
      %dma_start3A_109 = tpu.memref_squeeze %dma_start3A_108 : memref<1x1x2x128xi32, #tpu.memory_space<hbm>> -> memref<2x128xi32, #tpu.memory_space<hbm>>
      tpu.enqueue_dma source(%dma_start3A_109 : memref<2x128xi32, #tpu.memory_space<hbm>>) target(%dma_start3A_105 : memref<2x128xi32, #tpu.memory_space<vmem>>) target_semaphore(%run_scoped3A_93 : memref<!tpu.dma_semaphore, #tpu.memory_space<semaphore_mem>>)
      %dma_wait3A_110 = arith.constant 0 : i32
      %dma_wait3A_111 = arith.constant 0 : i32
      %dma_wait3A_112 = tpu.memref_slice %arg6[%run_scoped3A_5, %dma_wait3A_110, %dma_wait3A_111] : memref<1x2x128xi32, #tpu.memory_space<vmem>> -> memref<1x2x128xi32, #tpu.memory_space<vmem>>
      %dma_wait3A_113 = tpu.memref_squeeze %dma_wait3A_112 : memref<1x2x128xi32, #tpu.memory_space<vmem>> -> memref<2x128xi32, #tpu.memory_space<vmem>>
      %dma_wait3A_114 = arith.constant 0 : i32
      %dma_wait3A_115 = arith.constant 0 : i32
      %dma_wait3A_116 = tpu.memref_slice %arg3[%add3A, %run_scoped3A, %dma_wait3A_114, %dma_wait3A_115] : memref<32x80x2x128xi32, #tpu.memory_space<hbm>> -> memref<1x1x2x128xi32, #tpu.memory_space<hbm>>
      %dma_wait3A_117 = tpu.memref_squeeze %dma_wait3A_116 : memref<1x1x2x128xi32, #tpu.memory_space<hbm>> -> memref<2x128xi32, #tpu.memory_space<hbm>>
      %dma_wait3A_118 = arith.constant 0 : i32
      %dma_wait3A_119 = arith.constant 0 : i32
      %dma_wait3A_120 = tpu.memref_slice %arg6[%run_scoped3A_5, %dma_wait3A_118, %dma_wait3A_119] : memref<1x2x128xi32, #tpu.memory_space<vmem>> -> memref<1x2x128xi32, #tpu.memory_space<vmem>>
      %dma_wait3A_121 = tpu.memref_squeeze %dma_wait3A_120 : memref<1x2x128xi32, #tpu.memory_space<vmem>> -> memref<2x128xi32, #tpu.memory_space<vmem>>
      %dma_wait3A_122 = arith.constant 0 : i32
      %dma_wait3A_123 = arith.constant 0 : i32
      %dma_wait3A_124 = tpu.memref_slice %arg3[%add3A, %run_scoped3A, %dma_wait3A_122, %dma_wait3A_123] : memref<32x80x2x128xi32, #tpu.memory_space<hbm>> -> memref<1x1x2x128xi32, #tpu.memory_space<hbm>>
      %dma_wait3A_125 = tpu.memref_squeeze %dma_wait3A_124 : memref<1x1x2x128xi32, #tpu.memory_space<hbm>> -> memref<2x128xi32, #tpu.memory_space<hbm>>
      tpu.wait_dma2 semaphore(%run_scoped3A_93 : memref<!tpu.dma_semaphore, #tpu.memory_space<semaphore_mem>>) src(%dma_wait3A_125 : memref<2x128xi32, #tpu.memory_space<hbm>>) dst(%dma_wait3A_121 : memref<2x128xi32, #tpu.memory_space<vmem>>)
      tpu.yield
    }) : () -> ()
    %run_scoped3A_6 = arith.constant 0 : i32
    %run_scoped3A_7 = arith.constant 0 : i32
    "tpu.region"() ({
      %run_scoped3A_93 = tpu.sem_alloc : memref<!tpu.dma_semaphore, #tpu.memory_space<semaphore_mem>>
      %dma_start3A_94 = arith.constant 0 : i32
      %dma_start3A_95 = tpu.memref_slice %arg8[%run_scoped3A_7, %dma_start3A_94] : memref<1x128xf32, #tpu.memory_space<vmem>> -> memref<1x128xf32, #tpu.memory_space<vmem>>
      %dma_start3A_96 = tpu.memref_squeeze %dma_start3A_95 : memref<1x128xf32, #tpu.memory_space<vmem>> -> memref<128xf32, #tpu.memory_space<vmem>>
      %dma_start3A_97 = arith.constant 0 : i32
      %dma_start3A_98 = tpu.memref_slice %arg4[%add3A, %run_scoped3A_6, %dma_start3A_97] : memref<32x80x128xf32, #tpu.memory_space<hbm>> -> memref<1x1x128xf32, #tpu.memory_space<hbm>>
      %dma_start3A_99 = tpu.memref_squeeze %dma_start3A_98 : memref<1x1x128xf32, #tpu.memory_space<hbm>> -> memref<128xf32, #tpu.memory_space<hbm>>
      %dma_start3A_100 = arith.constant 0 : i32
      %dma_start3A_101 = tpu.memref_slice %arg8[%run_scoped3A_7, %dma_start3A_100] : memref<1x128xf32, #tpu.memory_space<vmem>> -> memref<1x128xf32, #tpu.memory_space<vmem>>
      %dma_start3A_102 = tpu.memref_squeeze %dma_start3A_101 : memref<1x128xf32, #tpu.memory_space<vmem>> -> memref<128xf32, #tpu.memory_space<vmem>>
      %dma_start3A_103 = arith.constant 0 : i32
      %dma_start3A_104 = tpu.memref_slice %arg4[%add3A, %run_scoped3A_6, %dma_start3A_103] : memref<32x80x128xf32, #tpu.memory_space<hbm>> -> memref<1x1x128xf32, #tpu.memory_space<hbm>>
      %dma_start3A_105 = tpu.memref_squeeze %dma_start3A_104 : memref<1x1x128xf32, #tpu.memory_space<hbm>> -> memref<128xf32, #tpu.memory_space<hbm>>
      tpu.enqueue_dma source(%dma_start3A_105 : memref<128xf32, #tpu.memory_space<hbm>>) target(%dma_start3A_102 : memref<128xf32, #tpu.memory_space<vmem>>) target_semaphore(%run_scoped3A_93 : memref<!tpu.dma_semaphore, #tpu.memory_space<semaphore_mem>>)
      %dma_wait3A_106 = arith.constant 0 : i32
      %dma_wait3A_107 = tpu.memref_slice %arg8[%run_scoped3A_7, %dma_wait3A_106] : memref<1x128xf32, #tpu.memory_space<vmem>> -> memref<1x128xf32, #tpu.memory_space<vmem>>
      %dma_wait3A_108 = tpu.memref_squeeze %dma_wait3A_107 : memref<1x128xf32, #tpu.memory_space<vmem>> -> memref<128xf32, #tpu.memory_space<vmem>>
      %dma_wait3A_109 = arith.constant 0 : i32
      %dma_wait3A_110 = tpu.memref_slice %arg4[%add3A, %run_scoped3A_6, %dma_wait3A_109] : memref<32x80x128xf32, #tpu.memory_space<hbm>> -> memref<1x1x128xf32, #tpu.memory_space<hbm>>
      %dma_wait3A_111 = tpu.memref_squeeze %dma_wait3A_110 : memref<1x1x128xf32, #tpu.memory_space<hbm>> -> memref<128xf32, #tpu.memory_space<hbm>>
      %dma_wait3A_112 = arith.constant 0 : i32
      %dma_wait3A_113 = tpu.memref_slice %arg8[%run_scoped3A_7, %dma_wait3A_112] : memref<1x128xf32, #tpu.memory_space<vmem>> -> memref<1x128xf32, #tpu.memory_space<vmem>>
      %dma_wait3A_114 = tpu.memref_squeeze %dma_wait3A_113 : memref<1x128xf32, #tpu.memory_space<vmem>> -> memref<128xf32, #tpu.memory_space<vmem>>
      %dma_wait3A_115 = arith.constant 0 : i32
      %dma_wait3A_116 = tpu.memref_slice %arg4[%add3A, %run_scoped3A_6, %dma_wait3A_115] : memref<32x80x128xf32, #tpu.memory_space<hbm>> -> memref<1x1x128xf32, #tpu.memory_space<hbm>>
      %dma_wait3A_117 = tpu.memref_squeeze %dma_wait3A_116 : memref<1x1x128xf32, #tpu.memory_space<hbm>> -> memref<128xf32, #tpu.memory_space<hbm>>
      tpu.wait_dma2 semaphore(%run_scoped3A_93 : memref<!tpu.dma_semaphore, #tpu.memory_space<semaphore_mem>>) src(%dma_wait3A_117 : memref<128xf32, #tpu.memory_space<hbm>>) dst(%dma_wait3A_114 : memref<128xf32, #tpu.memory_space<vmem>>)
      tpu.yield
    }) : () -> ()
    %dma_start3A = arith.constant 1 : i32
    %dma_start3A_8 = arith.constant 0 : i32
    %dma_start3A_9 = arith.constant 0 : i32
    %dma_start3A_10 = arith.constant 0 : i32
    %dma_start3A_11 = tpu.memref_slice %arg7[%dma_start3A_8, %dma_start3A_9, %dma_start3A_10] : memref<1x2x128xi32, #tpu.memory_space<vmem>> -> memref<1x2x128xi32, #tpu.memory_space<vmem>>
    %dma_start3A_12 = tpu.memref_squeeze %dma_start3A_11 : memref<1x2x128xi32, #tpu.memory_space<vmem>> -> memref<2x128xi32, #tpu.memory_space<vmem>>
    %dma_start3A_13 = arith.constant 0 : i32
    %dma_start3A_14 = arith.constant 0 : i32
    %dma_start3A_15 = tpu.memref_slice %arg3[%add3A, %dma_start3A, %dma_start3A_13, %dma_start3A_14] : memref<32x80x2x128xi32, #tpu.memory_space<hbm>> -> memref<1x1x2x128xi32, #tpu.memory_space<hbm>>
    %dma_start3A_16 = tpu.memref_squeeze %dma_start3A_15 : memref<1x1x2x128xi32, #tpu.memory_space<hbm>> -> memref<2x128xi32, #tpu.memory_space<hbm>>
    %dma_start3A_17 = arith.constant 0 : i32
    %dma_start3A_18 = arith.constant 0 : i32
    %dma_start3A_19 = tpu.memref_slice %arg7[%dma_start3A_8, %dma_start3A_17, %dma_start3A_18] : memref<1x2x128xi32, #tpu.memory_space<vmem>> -> memref<1x2x128xi32, #tpu.memory_space<vmem>>
    %dma_start3A_20 = tpu.memref_squeeze %dma_start3A_19 : memref<1x2x128xi32, #tpu.memory_space<vmem>> -> memref<2x128xi32, #tpu.memory_space<vmem>>
    %dma_start3A_21 = arith.constant 0 : i32
    %dma_start3A_22 = arith.constant 0 : i32
    %dma_start3A_23 = tpu.memref_slice %arg3[%add3A, %dma_start3A, %dma_start3A_21, %dma_start3A_22] : memref<32x80x2x128xi32, #tpu.memory_space<hbm>> -> memref<1x1x2x128xi32, #tpu.memory_space<hbm>>
    %dma_start3A_24 = tpu.memref_squeeze %dma_start3A_23 : memref<1x1x2x128xi32, #tpu.memory_space<hbm>> -> memref<2x128xi32, #tpu.memory_space<hbm>>
    tpu.enqueue_dma source(%dma_start3A_24 : memref<2x128xi32, #tpu.memory_space<hbm>>) target(%dma_start3A_20 : memref<2x128xi32, #tpu.memory_space<vmem>>) target_semaphore(%arg19 : memref<!tpu.dma_semaphore, #tpu.memory_space<semaphore_mem>>)
    %dma_start3A_25 = arith.constant 1 : i32
    %dma_start3A_26 = arith.constant 0 : i32
    %dma_start3A_27 = arith.constant 0 : i32
    %dma_start3A_28 = tpu.memref_slice %arg9[%dma_start3A_26, %dma_start3A_27] : memref<1x128xf32, #tpu.memory_space<vmem>> -> memref<1x128xf32, #tpu.memory_space<vmem>>
    %dma_start3A_29 = tpu.memref_squeeze %dma_start3A_28 : memref<1x128xf32, #tpu.memory_space<vmem>> -> memref<128xf32, #tpu.memory_space<vmem>>
    %dma_start3A_30 = arith.constant 0 : i32
    %dma_start3A_31 = tpu.memref_slice %arg4[%add3A, %dma_start3A_25, %dma_start3A_30] : memref<32x80x128xf32, #tpu.memory_space<hbm>> -> memref<1x1x128xf32, #tpu.memory_space<hbm>>
    %dma_start3A_32 = tpu.memref_squeeze %dma_start3A_31 : memref<1x1x128xf32, #tpu.memory_space<hbm>> -> memref<128xf32, #tpu.memory_space<hbm>>
    %dma_start3A_33 = arith.constant 0 : i32
    %dma_start3A_34 = tpu.memref_slice %arg9[%dma_start3A_26, %dma_start3A_33] : memref<1x128xf32, #tpu.memory_space<vmem>> -> memref<1x128xf32, #tpu.memory_space<vmem>>
    %dma_start3A_35 = tpu.memref_squeeze %dma_start3A_34 : memref<1x128xf32, #tpu.memory_space<vmem>> -> memref<128xf32, #tpu.memory_space<vmem>>
    %dma_start3A_36 = arith.constant 0 : i32
    %dma_start3A_37 = tpu.memref_slice %arg4[%add3A, %dma_start3A_25, %dma_start3A_36] : memref<32x80x128xf32, #tpu.memory_space<hbm>> -> memref<1x1x128xf32, #tpu.memory_space<hbm>>
    %dma_start3A_38 = tpu.memref_squeeze %dma_start3A_37 : memref<1x1x128xf32, #tpu.memory_space<hbm>> -> memref<128xf32, #tpu.memory_space<hbm>>
    tpu.enqueue_dma source(%dma_start3A_38 : memref<128xf32, #tpu.memory_space<hbm>>) target(%dma_start3A_35 : memref<128xf32, #tpu.memory_space<vmem>>) target_semaphore(%arg19 : memref<!tpu.dma_semaphore, #tpu.memory_space<semaphore_mem>>)
    %broadcast_in_dim3A = arith.constant 0.000000e+00 : f32
    %broadcast_in_dim3A_39 = vector.broadcast %broadcast_in_dim3A : f32 to vector<16xf32>
    %parallel_loop3A = arith.constant 0 : i32
    %parallel_loop3A_40 = arith.constant 128 : i32
    %parallel_loop3A_41 = arith.constant 1 : i32
    scf.for %parallel_loop3A_93 = %parallel_loop3A to %parallel_loop3A_40 step %parallel_loop3A_41  : i32 {
      %parallel_loop3A_94 = arith.index_cast %parallel_loop3A_93 : i32 to index
      %parallel_loop3A_95 = arith.constant 0 : index
      %parallel_loop3A_96 = tpu.vector_load %arg11[%parallel_loop3A_94, %parallel_loop3A_95] {strides = array<i32>} : memref<128x80xf32, #tpu.memory_space<vmem>>, vector<16xf32>,
      tpu.vector_store %arg11[%parallel_loop3A_94, %parallel_loop3A_95], %broadcast_in_dim3A_39 {strides = array<i32>} : memref<128x80xf32, #tpu.memory_space<vmem>>, vector<16xf32>,
      %parallel_loop3A_97 = arith.index_cast %parallel_loop3A_93 : i32 to index
      %parallel_loop3A_98 = arith.constant 16 : index
      %parallel_loop3A_99 = tpu.vector_load %arg11[%parallel_loop3A_97, %parallel_loop3A_98] {strides = array<i32>} : memref<128x80xf32, #tpu.memory_space<vmem>>, vector<16xf32>,
      tpu.vector_store %arg11[%parallel_loop3A_97, %parallel_loop3A_98], %broadcast_in_dim3A_39 {strides = array<i32>} : memref<128x80xf32, #tpu.memory_space<vmem>>, vector<16xf32>,
      %parallel_loop3A_100 = arith.index_cast %parallel_loop3A_93 : i32 to index
      %parallel_loop3A_101 = arith.constant 32 : index
      %parallel_loop3A_102 = tpu.vector_load %arg11[%parallel_loop3A_100, %parallel_loop3A_101] {strides = array<i32>} : memref<128x80xf32, #tpu.memory_space<vmem>>, vector<16xf32>,
      tpu.vector_store %arg11[%parallel_loop3A_100, %parallel_loop3A_101], %broadcast_in_dim3A_39 {strides = array<i32>} : memref<128x80xf32, #tpu.memory_space<vmem>>, vector<16xf32>,
      %parallel_loop3A_103 = arith.index_cast %parallel_loop3A_93 : i32 to index
      %parallel_loop3A_104 = arith.constant 48 : index
      %parallel_loop3A_105 = tpu.vector_load %arg11[%parallel_loop3A_103, %parallel_loop3A_104] {strides = array<i32>} : memref<128x80xf32, #tpu.memory_space<vmem>>, vector<16xf32>,
      tpu.vector_store %arg11[%parallel_loop3A_103, %parallel_loop3A_104], %broadcast_in_dim3A_39 {strides = array<i32>} : memref<128x80xf32, #tpu.memory_space<vmem>>, vector<16xf32>,
      %parallel_loop3A_106 = arith.index_cast %parallel_loop3A_93 : i32 to index
      %parallel_loop3A_107 = arith.constant 64 : index
      %parallel_loop3A_108 = tpu.vector_load %arg11[%parallel_loop3A_106, %parallel_loop3A_107] {strides = array<i32>} : memref<128x80xf32, #tpu.memory_space<vmem>>, vector<16xf32>,
      tpu.vector_store %arg11[%parallel_loop3A_106, %parallel_loop3A_107], %broadcast_in_dim3A_39 {strides = array<i32>} : memref<128x80xf32, #tpu.memory_space<vmem>>, vector<16xf32>,
    } {sc.loop_unroll_factor = 1 : i64, sc.parallel_access}
    %mul3A_42 = arith.constant 640 : i32
    %mul3A_43 = arith.muli %arg1, %mul3A_42 : i32
    %add3A_44 = arith.constant 0 : i32
    %add3A_45 = arith.addi %mul3A_43, %add3A_44 : i32
    "tpu.region"() ({
      %run_scoped3A_93 = tpu.sem_alloc : memref<!tpu.dma_semaphore, #tpu.memory_space<semaphore_mem>>
      %dma_start3A_94 = arith.constant 0 : i32
      %dma_start3A_95 = tpu.memref_slice %arg15[%add3A_45, %dma_start3A_94] : memref<10240x80xf32, #tpu.memory_space<vmem_shared>> -> memref<128x80xf32, #tpu.memory_space<vmem_shared>>
      %dma_start3A_96 = arith.constant 0 : i32
      %dma_start3A_97 = tpu.memref_slice %arg15[%add3A_45, %dma_start3A_96] : memref<10240x80xf32, #tpu.memory_space<vmem_shared>> -> memref<128x80xf32, #tpu.memory_space<vmem_shared>>
      tpu.enqueue_dma source(%arg11 : memref<128x80xf32, #tpu.memory_space<vmem>>) target(%dma_start3A_97 : memref<128x80xf32, #tpu.memory_space<vmem_shared>>) target_semaphore(%run_scoped3A_93 : memref<!tpu.dma_semaphore, #tpu.memory_space<semaphore_mem>>)
      %dma_wait3A_98 = arith.constant 0 : i32
      %dma_wait3A_99 = tpu.memref_slice %arg15[%add3A_45, %dma_wait3A_98] : memref<10240x80xf32, #tpu.memory_space<vmem_shared>> -> memref<128x80xf32, #tpu.memory_space<vmem_shared>>
      %dma_wait3A_100 = arith.constant 0 : i32
      %dma_wait3A_101 = tpu.memref_slice %arg15[%add3A_45, %dma_wait3A_100] : memref<10240x80xf32, #tpu.memory_space<vmem_shared>> -> memref<128x80xf32, #tpu.memory_space<vmem_shared>>
      tpu.wait_dma2 semaphore(%run_scoped3A_93 : memref<!tpu.dma_semaphore, #tpu.memory_space<semaphore_mem>>) src(%arg11 : memref<128x80xf32, #tpu.memory_space<vmem>>) dst(%dma_wait3A_101 : memref<128x80xf32, #tpu.memory_space<vmem_shared>>)
      tpu.yield
    }) : () -> ()
    %mul3A_46 = arith.constant 640 : i32
    %mul3A_47 = arith.muli %arg1, %mul3A_46 : i32
    %add3A_48 = arith.constant 128 : i32
    %add3A_49 = arith.addi %mul3A_47, %add3A_48 : i32
    "tpu.region"() ({
      %run_scoped3A_93 = tpu.sem_alloc : memref<!tpu.dma_semaphore, #tpu.memory_space<semaphore_mem>>
      %dma_start3A_94 = arith.constant 0 : i32
      %dma_start3A_95 = tpu.memref_slice %arg15[%add3A_49, %dma_start3A_94] : memref<10240x80xf32, #tpu.memory_space<vmem_shared>> -> memref<128x80xf32, #tpu.memory_space<vmem_shared>>
      %dma_start3A_96 = arith.constant 0 : i32
      %dma_start3A_97 = tpu.memref_slice %arg15[%add3A_49, %dma_start3A_96] : memref<10240x80xf32, #tpu.memory_space<vmem_shared>> -> memref<128x80xf32, #tpu.memory_space<vmem_shared>>
      tpu.enqueue_dma source(%arg11 : memref<128x80xf32, #tpu.memory_space<vmem>>) target(%dma_start3A_97 : memref<128x80xf32, #tpu.memory_space<vmem_shared>>) target_semaphore(%run_scoped3A_93 : memref<!tpu.dma_semaphore, #tpu.memory_space<semaphore_mem>>)
      %dma_wait3A_98 = arith.constant 0 : i32
      %dma_wait3A_99 = tpu.memref_slice %arg15[%add3A_49, %dma_wait3A_98] : memref<10240x80xf32, #tpu.memory_space<vmem_shared>> -> memref<128x80xf32, #tpu.memory_space<vmem_shared>>
      %dma_wait3A_100 = arith.constant 0 : i32
      %dma_wait3A_101 = tpu.memref_slice %arg15[%add3A_49, %dma_wait3A_100] : memref<10240x80xf32, #tpu.memory_space<vmem_shared>> -> memref<128x80xf32, #tpu.memory_space<vmem_shared>>
      tpu.wait_dma2 semaphore(%run_scoped3A_93 : memref<!tpu.dma_semaphore, #tpu.memory_space<semaphore_mem>>) src(%arg11 : memref<128x80xf32, #tpu.memory_space<vmem>>) dst(%dma_wait3A_101 : memref<128x80xf32, #tpu.memory_space<vmem_shared>>)
      tpu.yield
    }) : () -> ()
    %mul3A_50 = arith.constant 640 : i32
    %mul3A_51 = arith.muli %arg1, %mul3A_50 : i32
    %add3A_52 = arith.constant 256 : i32
    %add3A_53 = arith.addi %mul3A_51, %add3A_52 : i32
    "tpu.region"() ({
      %run_scoped3A_93 = tpu.sem_alloc : memref<!tpu.dma_semaphore, #tpu.memory_space<semaphore_mem>>
      %dma_start3A_94 = arith.constant 0 : i32
      %dma_start3A_95 = tpu.memref_slice %arg15[%add3A_53, %dma_start3A_94] : memref<10240x80xf32, #tpu.memory_space<vmem_shared>> -> memref<128x80xf32, #tpu.memory_space<vmem_shared>>
      %dma_start3A_96 = arith.constant 0 : i32
      %dma_start3A_97 = tpu.memref_slice %arg15[%add3A_53, %dma_start3A_96] : memref<10240x80xf32, #tpu.memory_space<vmem_shared>> -> memref<128x80xf32, #tpu.memory_space<vmem_shared>>
      tpu.enqueue_dma source(%arg11 : memref<128x80xf32, #tpu.memory_space<vmem>>) target(%dma_start3A_97 : memref<128x80xf32, #tpu.memory_space<vmem_shared>>) target_semaphore(%run_scoped3A_93 : memref<!tpu.dma_semaphore, #tpu.memory_space<semaphore_mem>>)
      %dma_wait3A_98 = arith.constant 0 : i32
      %dma_wait3A_99 = tpu.memref_slice %arg15[%add3A_53, %dma_wait3A_98] : memref<10240x80xf32, #tpu.memory_space<vmem_shared>> -> memref<128x80xf32, #tpu.memory_space<vmem_shared>>
      %dma_wait3A_100 = arith.constant 0 : i32
      %dma_wait3A_101 = tpu.memref_slice %arg15[%add3A_53, %dma_wait3A_100] : memref<10240x80xf32, #tpu.memory_space<vmem_shared>> -> memref<128x80xf32, #tpu.memory_space<vmem_shared>>
      tpu.wait_dma2 semaphore(%run_scoped3A_93 : memref<!tpu.dma_semaphore, #tpu.memory_space<semaphore_mem>>) src(%arg11 : memref<128x80xf32, #tpu.memory_space<vmem>>) dst(%dma_wait3A_101 : memref<128x80xf32, #tpu.memory_space<vmem_shared>>)
      tpu.yield
    }) : () -> ()
    %mul3A_54 = arith.constant 640 : i32
    %mul3A_55 = arith.muli %arg1, %mul3A_54 : i32
    %add3A_56 = arith.constant 384 : i32
    %add3A_57 = arith.addi %mul3A_55, %add3A_56 : i32
    "tpu.region"() ({
      %run_scoped3A_93 = tpu.sem_alloc : memref<!tpu.dma_semaphore, #tpu.memory_space<semaphore_mem>>
      %dma_start3A_94 = arith.constant 0 : i32
      %dma_start3A_95 = tpu.memref_slice %arg15[%add3A_57, %dma_start3A_94] : memref<10240x80xf32, #tpu.memory_space<vmem_shared>> -> memref<128x80xf32, #tpu.memory_space<vmem_shared>>
      %dma_start3A_96 = arith.constant 0 : i32
      %dma_start3A_97 = tpu.memref_slice %arg15[%add3A_57, %dma_start3A_96] : memref<10240x80xf32, #tpu.memory_space<vmem_shared>> -> memref<128x80xf32, #tpu.memory_space<vmem_shared>>
      tpu.enqueue_dma source(%arg11 : memref<128x80xf32, #tpu.memory_space<vmem>>) target(%dma_start3A_97 : memref<128x80xf32, #tpu.memory_space<vmem_shared>>) target_semaphore(%run_scoped3A_93 : memref<!tpu.dma_semaphore, #tpu.memory_space<semaphore_mem>>)
      %dma_wait3A_98 = arith.constant 0 : i32
      %dma_wait3A_99 = tpu.memref_slice %arg15[%add3A_57, %dma_wait3A_98] : memref<10240x80xf32, #tpu.memory_space<vmem_shared>> -> memref<128x80xf32, #tpu.memory_space<vmem_shared>>
      %dma_wait3A_100 = arith.constant 0 : i32
      %dma_wait3A_101 = tpu.memref_slice %arg15[%add3A_57, %dma_wait3A_100] : memref<10240x80xf32, #tpu.memory_space<vmem_shared>> -> memref<128x80xf32, #tpu.memory_space<vmem_shared>>
      tpu.wait_dma2 semaphore(%run_scoped3A_93 : memref<!tpu.dma_semaphore, #tpu.memory_space<semaphore_mem>>) src(%arg11 : memref<128x80xf32, #tpu.memory_space<vmem>>) dst(%dma_wait3A_101 : memref<128x80xf32, #tpu.memory_space<vmem_shared>>)
      tpu.yield
    }) : () -> ()
    %mul3A_58 = arith.constant 640 : i32
    %mul3A_59 = arith.muli %arg1, %mul3A_58 : i32
    %add3A_60 = arith.constant 512 : i32
    %add3A_61 = arith.addi %mul3A_59, %add3A_60 : i32
    "tpu.region"() ({
      %run_scoped3A_93 = tpu.sem_alloc : memref<!tpu.dma_semaphore, #tpu.memory_space<semaphore_mem>>
      %dma_start3A_94 = arith.constant 0 : i32
      %dma_start3A_95 = tpu.memref_slice %arg15[%add3A_61, %dma_start3A_94] : memref<10240x80xf32, #tpu.memory_space<vmem_shared>> -> memref<128x80xf32, #tpu.memory_space<vmem_shared>>
      %dma_start3A_96 = arith.constant 0 : i32
      %dma_start3A_97 = tpu.memref_slice %arg15[%add3A_61, %dma_start3A_96] : memref<10240x80xf32, #tpu.memory_space<vmem_shared>> -> memref<128x80xf32, #tpu.memory_space<vmem_shared>>
      tpu.enqueue_dma source(%arg11 : memref<128x80xf32, #tpu.memory_space<vmem>>) target(%dma_start3A_97 : memref<128x80xf32, #tpu.memory_space<vmem_shared>>) target_semaphore(%run_scoped3A_93 : memref<!tpu.dma_semaphore, #tpu.memory_space<semaphore_mem>>)
      %dma_wait3A_98 = arith.constant 0 : i32
      %dma_wait3A_99 = tpu.memref_slice %arg15[%add3A_61, %dma_wait3A_98] : memref<10240x80xf32, #tpu.memory_space<vmem_shared>> -> memref<128x80xf32, #tpu.memory_space<vmem_shared>>
      %dma_wait3A_100 = arith.constant 0 : i32
      %dma_wait3A_101 = tpu.memref_slice %arg15[%add3A_61, %dma_wait3A_100] : memref<10240x80xf32, #tpu.memory_space<vmem_shared>> -> memref<128x80xf32, #tpu.memory_space<vmem_shared>>
      tpu.wait_dma2 semaphore(%run_scoped3A_93 : memref<!tpu.dma_semaphore, #tpu.memory_space<semaphore_mem>>) src(%arg11 : memref<128x80xf32, #tpu.memory_space<vmem>>) dst(%dma_wait3A_101 : memref<128x80xf32, #tpu.memory_space<vmem_shared>>)
      tpu.yield
    }) : () -> ()
    %barrier3A = arith.constant 0 : index
    tpu.barrier barrier_id(%barrier3A)
    %dma_start3A_62 = arith.constant 0 : i32
    %dma_start3A_63 = arith.constant 0 : i32
    %dma_start3A_64 = arith.constant 0 : i32
    %dma_start3A_65 = tpu.memref_slice %arg6[%dma_start3A_62, %dma_start3A_63, %dma_start3A_64] : memref<1x2x128xi32, #tpu.memory_space<vmem>> -> memref<1x1x128xi32, #tpu.memory_space<vmem>>
    %dma_start3A_66 = tpu.memref_squeeze %dma_start3A_65 : memref<1x1x128xi32, #tpu.memory_space<vmem>> -> memref<128xi32, #tpu.memory_space<vmem>>
    %dma_start3A_67 = arith.constant 0 : i32
    %dma_start3A_68 = arith.constant 0 : i32
    %dma_start3A_69 = tpu.memref_slice %arg14[%dma_start3A_67, %dma_start3A_68] : memref<10240x80xf32, #tpu.memory_space<vmem_shared>> -> memref<10240x80xf32, #tpu.memory_space<vmem_shared>>
    tpu.enqueue_indirect_dma source(%dma_start3A_69 : memref<10240x80xf32, #tpu.memory_space<vmem_shared>>) target(%arg10 : memref<128x80xf32, #tpu.memory_space<vmem>>) offsets(%dma_start3A_66 : memref<128xi32, #tpu.memory_space<vmem>>) semaphore(%arg16 : memref<!tpu.dma_semaphore, #tpu.memory_space<semaphore_mem>>)
    %scan3A = arith.constant 0 : i32
    %scan3A_70 = arith.constant 0 : i32
    %scan3A_71 = arith.constant 40 : i32
    %scan3A_72 = arith.addi %scan3A_70, %scan3A_71 : i32
    %scan3A_73 = arith.constant 1 : i32
    scf.for %scan3A_93 = %scan3A_70 to %scan3A_72 step %scan3A_73  : i32 {
      %mul3A_94 = arith.constant 2 : i32
      %mul3A_95 = arith.muli %mul3A_94, %scan3A_93 : i32
      %add3A_96 = arith.constant 0 : i32
      %add3A_97 = arith.addi %mul3A_95, %add3A_96 : i32
      %dma_wait3A_98 = arith.constant 0 : i32
      %dma_wait3A_99 = arith.constant 0 : i32
      %dma_wait3A_100 = arith.constant 0 : i32
      %dma_wait3A_101 = tpu.memref_slice %arg6[%dma_wait3A_98, %dma_wait3A_99, %dma_wait3A_100] : memref<1x2x128xi32, #tpu.memory_space<vmem>> -> memref<1x1x128xi32, #tpu.memory_space<vmem>>
      %dma_wait3A_102 = tpu.memref_squeeze %dma_wait3A_101 : memref<1x1x128xi32, #tpu.memory_space<vmem>> -> memref<128xi32, #tpu.memory_space<vmem>>
      %dma_wait3A_103 = arith.constant 0 : i32
      %dma_wait3A_104 = arith.constant 0 : i32
      %dma_wait3A_105 = tpu.memref_slice %arg14[%dma_wait3A_103, %dma_wait3A_104] : memref<10240x80xf32, #tpu.memory_space<vmem_shared>> -> memref<10240x80xf32, #tpu.memory_space<vmem_shared>>
      tpu.wait_indirect_dma semaphore(%arg16 : memref<!tpu.dma_semaphore, #tpu.memory_space<semaphore_mem>>) src(%dma_wait3A_105 : memref<10240x80xf32, #tpu.memory_space<vmem_shared>>) dst(%arg10 : memref<128x80xf32, #tpu.memory_space<vmem>>)
      %gt3A = arith.constant 0 : i32
      %gt3A_106 = arith.cmpi sgt, %add3A_97, %gt3A : i32
      %add3A_107 = arith.constant 1 : i32
      %add3A_108 = arith.addi %add3A_97, %add3A_107 : i32
      %lt3A = arith.constant 80 : i32
      %lt3A_109 = arith.cmpi slt, %add3A_108, %lt3A : i32
      %and3A = arith.andi %gt3A_106, %lt3A_109 : i1
      %convert_element_type3A = arith.extui %and3A : i1 to i32
      %cond3A = arith.constant 0 : i32
      %cond3A_110 = arith.cmpi ne, %convert_element_type3A, %cond3A : i32
      scf.if %cond3A_110 {
        %dma_wait3A_339 = arith.constant 0 : i32
        %dma_wait3A_340 = arith.constant 0 : i32
        %dma_wait3A_341 = tpu.memref_slice %arg13[%dma_wait3A_339, %dma_wait3A_340] : memref<1x128xi32, #tpu.memory_space<vmem>> -> memref<1x128xi32, #tpu.memory_space<vmem>>
        %dma_wait3A_342 = tpu.memref_squeeze %dma_wait3A_341 : memref<1x128xi32, #tpu.memory_space<vmem>> -> memref<128xi32, #tpu.memory_space<vmem>>
        %dma_wait3A_343 = arith.constant 0 : i32
        %dma_wait3A_344 = arith.constant 0 : i32
        %dma_wait3A_345 = tpu.memref_slice %arg15[%dma_wait3A_343, %dma_wait3A_344] : memref<10240x80xf32, #tpu.memory_space<vmem_shared>> -> memref<10240x80xf32, #tpu.memory_space<vmem_shared>>
        tpu.wait_indirect_dma semaphore(%arg21 : memref<!tpu.dma_semaphore, #tpu.memory_space<semaphore_mem>>) src(%arg11 : memref<128x80xf32, #tpu.memory_space<vmem>>) dst(%dma_wait3A_345 : memref<10240x80xf32, #tpu.memory_space<vmem_shared>>)
      } else {
      }
      %add3A_111 = arith.constant 1 : i32
      %add3A_112 = arith.addi %add3A_97, %add3A_111 : i32
      %lt3A_113 = arith.constant 80 : i32
      %lt3A_114 = arith.cmpi slt, %add3A_112, %lt3A_113 : i32
      %convert_element_type3A_115 = arith.extui %lt3A_114 : i1 to i32
      %cond3A_116 = arith.constant 0 : i32
      %cond3A_117 = arith.cmpi ne, %convert_element_type3A_115, %cond3A_116 : i32
      scf.if %cond3A_117 {
        %dma_wait3A_339 = arith.constant 0 : i32
        %dma_wait3A_340 = arith.constant 0 : i32
        %dma_wait3A_341 = arith.constant 0 : i32
        %dma_wait3A_342 = arith.constant 0 : i32
        %dma_wait3A_343 = tpu.memref_slice %arg7[%dma_wait3A_340, %dma_wait3A_341, %dma_wait3A_342] : memref<1x2x128xi32, #tpu.memory_space<vmem>> -> memref<1x2x128xi32, #tpu.memory_space<vmem>>
        %dma_wait3A_344 = tpu.memref_squeeze %dma_wait3A_343 : memref<1x2x128xi32, #tpu.memory_space<vmem>> -> memref<2x128xi32, #tpu.memory_space<vmem>>
        %dma_wait3A_345 = arith.constant 0 : i32
        %dma_wait3A_346 = arith.constant 0 : i32
        %dma_wait3A_347 = tpu.memref_slice %arg3[%add3A, %dma_wait3A_339, %dma_wait3A_345, %dma_wait3A_346] : memref<32x80x2x128xi32, #tpu.memory_space<hbm>> -> memref<1x1x2x128xi32, #tpu.memory_space<hbm>>
        %dma_wait3A_348 = tpu.memref_squeeze %dma_wait3A_347 : memref<1x1x2x128xi32, #tpu.memory_space<hbm>> -> memref<2x128xi32, #tpu.memory_space<hbm>>
        %dma_wait3A_349 = arith.constant 0 : i32
        %dma_wait3A_350 = arith.constant 0 : i32
        %dma_wait3A_351 = tpu.memref_slice %arg7[%dma_wait3A_340, %dma_wait3A_349, %dma_wait3A_350] : memref<1x2x128xi32, #tpu.memory_space<vmem>> -> memref<1x2x128xi32, #tpu.memory_space<vmem>>
        %dma_wait3A_352 = tpu.memref_squeeze %dma_wait3A_351 : memref<1x2x128xi32, #tpu.memory_space<vmem>> -> memref<2x128xi32, #tpu.memory_space<vmem>>
        %dma_wait3A_353 = arith.constant 0 : i32
        %dma_wait3A_354 = arith.constant 0 : i32
        %dma_wait3A_355 = tpu.memref_slice %arg3[%add3A, %dma_wait3A_339, %dma_wait3A_353, %dma_wait3A_354] : memref<32x80x2x128xi32, #tpu.memory_space<hbm>> -> memref<1x1x2x128xi32, #tpu.memory_space<hbm>>
        %dma_wait3A_356 = tpu.memref_squeeze %dma_wait3A_355 : memref<1x1x2x128xi32, #tpu.memory_space<hbm>> -> memref<2x128xi32, #tpu.memory_space<hbm>>
        tpu.wait_dma2 semaphore(%arg19 : memref<!tpu.dma_semaphore, #tpu.memory_space<semaphore_mem>>) src(%dma_wait3A_356 : memref<2x128xi32, #tpu.memory_space<hbm>>) dst(%dma_wait3A_352 : memref<2x128xi32, #tpu.memory_space<vmem>>)
        %dma_wait3A_357 = arith.constant 0 : i32
        %dma_wait3A_358 = arith.constant 0 : i32
        %dma_wait3A_359 = arith.constant 0 : i32
        %dma_wait3A_360 = tpu.memref_slice %arg9[%dma_wait3A_358, %dma_wait3A_359] : memref<1x128xf32, #tpu.memory_space<vmem>> -> memref<1x128xf32, #tpu.memory_space<vmem>>
        %dma_wait3A_361 = tpu.memref_squeeze %dma_wait3A_360 : memref<1x128xf32, #tpu.memory_space<vmem>> -> memref<128xf32, #tpu.memory_space<vmem>>
        %dma_wait3A_362 = arith.constant 0 : i32
        %dma_wait3A_363 = tpu.memref_slice %arg4[%add3A, %dma_wait3A_357, %dma_wait3A_362] : memref<32x80x128xf32, #tpu.memory_space<hbm>> -> memref<1x1x128xf32, #tpu.memory_space<hbm>>
        %dma_wait3A_364 = tpu.memref_squeeze %dma_wait3A_363 : memref<1x1x128xf32, #tpu.memory_space<hbm>> -> memref<128xf32, #tpu.memory_space<hbm>>
        %dma_wait3A_365 = arith.constant 0 : i32
        %dma_wait3A_366 = tpu.memref_slice %arg9[%dma_wait3A_358, %dma_wait3A_365] : memref<1x128xf32, #tpu.memory_space<vmem>> -> memref<1x128xf32, #tpu.memory_space<vmem>>
        %dma_wait3A_367 = tpu.memref_squeeze %dma_wait3A_366 : memref<1x128xf32, #tpu.memory_space<vmem>> -> memref<128xf32, #tpu.memory_space<vmem>>
        %dma_wait3A_368 = arith.constant 0 : i32
        %dma_wait3A_369 = tpu.memref_slice %arg4[%add3A, %dma_wait3A_357, %dma_wait3A_368] : memref<32x80x128xf32, #tpu.memory_space<hbm>> -> memref<1x1x128xf32, #tpu.memory_space<hbm>>
        %dma_wait3A_370 = tpu.memref_squeeze %dma_wait3A_369 : memref<1x1x128xf32, #tpu.memory_space<hbm>> -> memref<128xf32, #tpu.memory_space<hbm>>
        tpu.wait_dma2 semaphore(%arg19 : memref<!tpu.dma_semaphore, #tpu.memory_space<semaphore_mem>>) src(%dma_wait3A_370 : memref<128xf32, #tpu.memory_space<hbm>>) dst(%dma_wait3A_367 : memref<128xf32, #tpu.memory_space<vmem>>)
        %dma_start3A_371 = arith.constant 0 : i32
        %dma_start3A_372 = arith.constant 0 : i32
        %dma_start3A_373 = arith.constant 0 : i32
        %dma_start3A_374 = tpu.memref_slice %arg7[%dma_start3A_371, %dma_start3A_372, %dma_start3A_373] : memref<1x2x128xi32, #tpu.memory_space<vmem>> -> memref<1x1x128xi32, #tpu.memory_space<vmem>>
        %dma_start3A_375 = tpu.memref_squeeze %dma_start3A_374 : memref<1x1x128xi32, #tpu.memory_space<vmem>> -> memref<128xi32, #tpu.memory_space<vmem>>
        %dma_start3A_376 = arith.constant 0 : i32
        %dma_start3A_377 = arith.constant 0 : i32
        %dma_start3A_378 = tpu.memref_slice %arg14[%dma_start3A_376, %dma_start3A_377] : memref<10240x80xf32, #tpu.memory_space<vmem_shared>> -> memref<10240x80xf32, #tpu.memory_space<vmem_shared>>
        tpu.enqueue_indirect_dma source(%dma_start3A_378 : memref<10240x80xf32, #tpu.memory_space<vmem_shared>>) target(%arg11 : memref<128x80xf32, #tpu.memory_space<vmem>>) offsets(%dma_start3A_375 : memref<128xi32, #tpu.memory_space<vmem>>) semaphore(%arg17 : memref<!tpu.dma_semaphore, #tpu.memory_space<semaphore_mem>>)
      } else {
      }
      %parallel_loop3A_118 = arith.constant 0 : i32
      %parallel_loop3A_119 = arith.constant 128 : i32
      %parallel_loop3A_120 = arith.constant 1 : i32
      scf.for %parallel_loop3A_339 = %parallel_loop3A_118 to %parallel_loop3A_119 step %parallel_loop3A_120  : i32 {
        %parallel_loop3A_340 = arith.constant 0 : i32
        %parallel_loop3A_341 = vector.broadcast %parallel_loop3A_340 : i32 to vector<16xi32>
        %parallel_loop3A_342 = vector.broadcast %parallel_loop3A_339 : i32 to vector<16xi32>
        %parallel_loop3A_343 = tpu.vector_load_idx %arg8[%parallel_loop3A_341, %parallel_loop3A_342] : memref<1x128xf32, #tpu.memory_space<vmem>>[vector<16xi32>, vector<16xi32>], vector<16xf32>,
        %parallel_loop3A_344 = arith.index_cast %parallel_loop3A_339 : i32 to index
        %parallel_loop3A_345 = arith.constant 0 : index
        %parallel_loop3A_346 = tpu.vector_load %arg10[%parallel_loop3A_344, %parallel_loop3A_345] {strides = array<i32>} : memref<128x80xf32, #tpu.memory_space<vmem>>, vector<16xf32>,
        %parallel_loop3A_347 = arith.mulf %parallel_loop3A_346, %parallel_loop3A_343 : vector<16xf32>
        %parallel_loop3A_348 = arith.index_cast %parallel_loop3A_339 : i32 to index
        %parallel_loop3A_349 = arith.constant 0 : index
        %parallel_loop3A_350 = tpu.vector_load %arg10[%parallel_loop3A_348, %parallel_loop3A_349] {strides = array<i32>} : memref<128x80xf32, #tpu.memory_space<vmem>>, vector<16xf32>,
        tpu.vector_store %arg10[%parallel_loop3A_348, %parallel_loop3A_349], %parallel_loop3A_347 {strides = array<i32>} : memref<128x80xf32, #tpu.memory_space<vmem>>, vector<16xf32>,
        %parallel_loop3A_351 = arith.index_cast %parallel_loop3A_339 : i32 to index
        %parallel_loop3A_352 = arith.constant 16 : index
        %parallel_loop3A_353 = tpu.vector_load %arg10[%parallel_loop3A_351, %parallel_loop3A_352] {strides = array<i32>} : memref<128x80xf32, #tpu.memory_space<vmem>>, vector<16xf32>,
        %parallel_loop3A_354 = arith.mulf %parallel_loop3A_353, %parallel_loop3A_343 : vector<16xf32>
        %parallel_loop3A_355 = arith.index_cast %parallel_loop3A_339 : i32 to index
        %parallel_loop3A_356 = arith.constant 16 : index
        %parallel_loop3A_357 = tpu.vector_load %arg10[%parallel_loop3A_355, %parallel_loop3A_356] {strides = array<i32>} : memref<128x80xf32, #tpu.memory_space<vmem>>, vector<16xf32>,
        tpu.vector_store %arg10[%parallel_loop3A_355, %parallel_loop3A_356], %parallel_loop3A_354 {strides = array<i32>} : memref<128x80xf32, #tpu.memory_space<vmem>>, vector<16xf32>,
        %parallel_loop3A_358 = arith.index_cast %parallel_loop3A_339 : i32 to index
        %parallel_loop3A_359 = arith.constant 32 : index
        %parallel_loop3A_360 = tpu.vector_load %arg10[%parallel_loop3A_358, %parallel_loop3A_359] {strides = array<i32>} : memref<128x80xf32, #tpu.memory_space<vmem>>, vector<16xf32>,
        %parallel_loop3A_361 = arith.mulf %parallel_loop3A_360, %parallel_loop3A_343 : vector<16xf32>
        %parallel_loop3A_362 = arith.index_cast %parallel_loop3A_339 : i32 to index
        %parallel_loop3A_363 = arith.constant 32 : index
        %parallel_loop3A_364 = tpu.vector_load %arg10[%parallel_loop3A_362, %parallel_loop3A_363] {strides = array<i32>} : memref<128x80xf32, #tpu.memory_space<vmem>>, vector<16xf32>,
        tpu.vector_store %arg10[%parallel_loop3A_362, %parallel_loop3A_363], %parallel_loop3A_361 {strides = array<i32>} : memref<128x80xf32, #tpu.memory_space<vmem>>, vector<16xf32>,
        %parallel_loop3A_365 = arith.index_cast %parallel_loop3A_339 : i32 to index
        %parallel_loop3A_366 = arith.constant 48 : index
        %parallel_loop3A_367 = tpu.vector_load %arg10[%parallel_loop3A_365, %parallel_loop3A_366] {strides = array<i32>} : memref<128x80xf32, #tpu.memory_space<vmem>>, vector<16xf32>,
        %parallel_loop3A_368 = arith.mulf %parallel_loop3A_367, %parallel_loop3A_343 : vector<16xf32>
        %parallel_loop3A_369 = arith.index_cast %parallel_loop3A_339 : i32 to index
        %parallel_loop3A_370 = arith.constant 48 : index
        %parallel_loop3A_371 = tpu.vector_load %arg10[%parallel_loop3A_369, %parallel_loop3A_370] {strides = array<i32>} : memref<128x80xf32, #tpu.memory_space<vmem>>, vector<16xf32>,
        tpu.vector_store %arg10[%parallel_loop3A_369, %parallel_loop3A_370], %parallel_loop3A_368 {strides = array<i32>} : memref<128x80xf32, #tpu.memory_space<vmem>>, vector<16xf32>,
        %parallel_loop3A_372 = arith.index_cast %parallel_loop3A_339 : i32 to index
        %parallel_loop3A_373 = arith.constant 64 : index
        %parallel_loop3A_374 = tpu.vector_load %arg10[%parallel_loop3A_372, %parallel_loop3A_373] {strides = array<i32>} : memref<128x80xf32, #tpu.memory_space<vmem>>, vector<16xf32>,
        %parallel_loop3A_375 = arith.mulf %parallel_loop3A_374, %parallel_loop3A_343 : vector<16xf32>
        %parallel_loop3A_376 = arith.index_cast %parallel_loop3A_339 : i32 to index
        %parallel_loop3A_377 = arith.constant 64 : index
        %parallel_loop3A_378 = tpu.vector_load %arg10[%parallel_loop3A_376, %parallel_loop3A_377] {strides = array<i32>} : memref<128x80xf32, #tpu.memory_space<vmem>>, vector<16xf32>,
        tpu.vector_store %arg10[%parallel_loop3A_376, %parallel_loop3A_377], %parallel_loop3A_375 {strides = array<i32>} : memref<128x80xf32, #tpu.memory_space<vmem>>, vector<16xf32>,
      } {sc.loop_unroll_factor = 4 : i64, sc.parallel_access}
      %get3A = arith.constant 0 : i32
      %get3A_121 = arith.constant 1 : i32
      %get3A_122 = arith.index_cast %get3A : i32 to index
      %get3A_123 = arith.index_cast %get3A_121 : i32 to index
      %get3A_124 = arith.constant 0 : index
      %get3A_125 = tpu.vector_load %arg6[%get3A_122, %get3A_123, %get3A_124] {strides = array<i32>} : memref<1x2x128xi32, #tpu.memory_space<vmem>>, vector<16xi32>,
      %swap3A = arith.constant 0 : i32
      %swap3A_126 = arith.index_cast %swap3A : i32 to index
      %swap3A_127 = arith.constant 0 : index
      %swap3A_128 = tpu.vector_load %arg12[%swap3A_126, %swap3A_127] {strides = array<i32>} : memref<1x128xi32, #tpu.memory_space<vmem>>, vector<16xi32>,
      tpu.vector_store %arg12[%swap3A_126, %swap3A_127], %get3A_125 {strides = array<i32>} : memref<1x128xi32, #tpu.memory_space<vmem>>, vector<16xi32>,
      %get3A_129 = arith.constant 0 : i32
      %get3A_130 = arith.constant 1 : i32
      %get3A_131 = arith.index_cast %get3A_129 : i32 to index
      %get3A_132 = arith.index_cast %get3A_130 : i32 to index
      %get3A_133 = arith.constant 16 : index
      %get3A_134 = tpu.vector_load %arg6[%get3A_131, %get3A_132, %get3A_133] {strides = array<i32>} : memref<1x2x128xi32, #tpu.memory_space<vmem>>, vector<16xi32>,
      %swap3A_135 = arith.constant 0 : i32
      %swap3A_136 = arith.index_cast %swap3A_135 : i32 to index
      %swap3A_137 = arith.constant 16 : index
      %swap3A_138 = tpu.vector_load %arg12[%swap3A_136, %swap3A_137] {strides = array<i32>} : memref<1x128xi32, #tpu.memory_space<vmem>>, vector<16xi32>,
      tpu.vector_store %arg12[%swap3A_136, %swap3A_137], %get3A_134 {strides = array<i32>} : memref<1x128xi32, #tpu.memory_space<vmem>>, vector<16xi32>,
      %get3A_139 = arith.constant 0 : i32
      %get3A_140 = arith.constant 1 : i32
      %get3A_141 = arith.index_cast %get3A_139 : i32 to index
      %get3A_142 = arith.index_cast %get3A_140 : i32 to index
      %get3A_143 = arith.constant 32 : index
      %get3A_144 = tpu.vector_load %arg6[%get3A_141, %get3A_142, %get3A_143] {strides = array<i32>} : memref<1x2x128xi32, #tpu.memory_space<vmem>>, vector<16xi32>,
      %swap3A_145 = arith.constant 0 : i32
      %swap3A_146 = arith.index_cast %swap3A_145 : i32 to index
      %swap3A_147 = arith.constant 32 : index
      %swap3A_148 = tpu.vector_load %arg12[%swap3A_146, %swap3A_147] {strides = array<i32>} : memref<1x128xi32, #tpu.memory_space<vmem>>, vector<16xi32>,
      tpu.vector_store %arg12[%swap3A_146, %swap3A_147], %get3A_144 {strides = array<i32>} : memref<1x128xi32, #tpu.memory_space<vmem>>, vector<16xi32>,
      %get3A_149 = arith.constant 0 : i32
      %get3A_150 = arith.constant 1 : i32
      %get3A_151 = arith.index_cast %get3A_149 : i32 to index
      %get3A_152 = arith.index_cast %get3A_150 : i32 to index
      %get3A_153 = arith.constant 48 : index
      %get3A_154 = tpu.vector_load %arg6[%get3A_151, %get3A_152, %get3A_153] {strides = array<i32>} : memref<1x2x128xi32, #tpu.memory_space<vmem>>, vector<16xi32>,
      %swap3A_155 = arith.constant 0 : i32
      %swap3A_156 = arith.index_cast %swap3A_155 : i32 to index
      %swap3A_157 = arith.constant 48 : index
      %swap3A_158 = tpu.vector_load %arg12[%swap3A_156, %swap3A_157] {strides = array<i32>} : memref<1x128xi32, #tpu.memory_space<vmem>>, vector<16xi32>,
      tpu.vector_store %arg12[%swap3A_156, %swap3A_157], %get3A_154 {strides = array<i32>} : memref<1x128xi32, #tpu.memory_space<vmem>>, vector<16xi32>,
      %get3A_159 = arith.constant 0 : i32
      %get3A_160 = arith.constant 1 : i32
      %get3A_161 = arith.index_cast %get3A_159 : i32 to index
      %get3A_162 = arith.index_cast %get3A_160 : i32 to index
      %get3A_163 = arith.constant 64 : index
      %get3A_164 = tpu.vector_load %arg6[%get3A_161, %get3A_162, %get3A_163] {strides = array<i32>} : memref<1x2x128xi32, #tpu.memory_space<vmem>>, vector<16xi32>,
      %swap3A_165 = arith.constant 0 : i32
      %swap3A_166 = arith.index_cast %swap3A_165 : i32 to index
      %swap3A_167 = arith.constant 64 : index
      %swap3A_168 = tpu.vector_load %arg12[%swap3A_166, %swap3A_167] {strides = array<i32>} : memref<1x128xi32, #tpu.memory_space<vmem>>, vector<16xi32>,
      tpu.vector_store %arg12[%swap3A_166, %swap3A_167], %get3A_164 {strides = array<i32>} : memref<1x128xi32, #tpu.memory_space<vmem>>, vector<16xi32>,
      %get3A_169 = arith.constant 0 : i32
      %get3A_170 = arith.constant 1 : i32
      %get3A_171 = arith.index_cast %get3A_169 : i32 to index
      %get3A_172 = arith.index_cast %get3A_170 : i32 to index
      %get3A_173 = arith.constant 80 : index
      %get3A_174 = tpu.vector_load %arg6[%get3A_171, %get3A_172, %get3A_173] {strides = array<i32>} : memref<1x2x128xi32, #tpu.memory_space<vmem>>, vector<16xi32>,
      %swap3A_175 = arith.constant 0 : i32
      %swap3A_176 = arith.index_cast %swap3A_175 : i32 to index
      %swap3A_177 = arith.constant 80 : index
      %swap3A_178 = tpu.vector_load %arg12[%swap3A_176, %swap3A_177] {strides = array<i32>} : memref<1x128xi32, #tpu.memory_space<vmem>>, vector<16xi32>,
      tpu.vector_store %arg12[%swap3A_176, %swap3A_177], %get3A_174 {strides = array<i32>} : memref<1x128xi32, #tpu.memory_space<vmem>>, vector<16xi32>,
      %get3A_179 = arith.constant 0 : i32
      %get3A_180 = arith.constant 1 : i32
      %get3A_181 = arith.index_cast %get3A_179 : i32 to index
      %get3A_182 = arith.index_cast %get3A_180 : i32 to index
      %get3A_183 = arith.constant 96 : index
      %get3A_184 = tpu.vector_load %arg6[%get3A_181, %get3A_182, %get3A_183] {strides = array<i32>} : memref<1x2x128xi32, #tpu.memory_space<vmem>>, vector<16xi32>,
      %swap3A_185 = arith.constant 0 : i32
      %swap3A_186 = arith.index_cast %swap3A_185 : i32 to index
      %swap3A_187 = arith.constant 96 : index
      %swap3A_188 = tpu.vector_load %arg12[%swap3A_186, %swap3A_187] {strides = array<i32>} : memref<1x128xi32, #tpu.memory_space<vmem>>, vector<16xi32>,
      tpu.vector_store %arg12[%swap3A_186, %swap3A_187], %get3A_184 {strides = array<i32>} : memref<1x128xi32, #tpu.memory_space<vmem>>, vector<16xi32>,
      %get3A_189 = arith.constant 0 : i32
      %get3A_190 = arith.constant 1 : i32
      %get3A_191 = arith.index_cast %get3A_189 : i32 to index
      %get3A_192 = arith.index_cast %get3A_190 : i32 to index
      %get3A_193 = arith.constant 112 : index
      %get3A_194 = tpu.vector_load %arg6[%get3A_191, %get3A_192, %get3A_193] {strides = array<i32>} : memref<1x2x128xi32, #tpu.memory_space<vmem>>, vector<16xi32>,
      %swap3A_195 = arith.constant 0 : i32
      %swap3A_196 = arith.index_cast %swap3A_195 : i32 to index
      %swap3A_197 = arith.constant 112 : index
      %swap3A_198 = tpu.vector_load %arg12[%swap3A_196, %swap3A_197] {strides = array<i32>} : memref<1x128xi32, #tpu.memory_space<vmem>>, vector<16xi32>,
      tpu.vector_store %arg12[%swap3A_196, %swap3A_197], %get3A_194 {strides = array<i32>} : memref<1x128xi32, #tpu.memory_space<vmem>>, vector<16xi32>,
      %dma_start3A_199 = arith.constant 0 : i32
      %dma_start3A_200 = arith.constant 0 : i32
      %dma_start3A_201 = tpu.memref_slice %arg12[%dma_start3A_199, %dma_start3A_200] : memref<1x128xi32, #tpu.memory_space<vmem>> -> memref<1x128xi32, #tpu.memory_space<vmem>>
      %dma_start3A_202 = tpu.memref_squeeze %dma_start3A_201 : memref<1x128xi32, #tpu.memory_space<vmem>> -> memref<128xi32, #tpu.memory_space<vmem>>
      %dma_start3A_203 = arith.constant 0 : i32
      %dma_start3A_204 = arith.constant 0 : i32
      %dma_start3A_205 = tpu.memref_slice %arg15[%dma_start3A_203, %dma_start3A_204] : memref<10240x80xf32, #tpu.memory_space<vmem_shared>> -> memref<10240x80xf32, #tpu.memory_space<vmem_shared>>
      tpu.enqueue_indirect_dma source(%arg10 : memref<128x80xf32, #tpu.memory_space<vmem>>) target(%dma_start3A_205 : memref<10240x80xf32, #tpu.memory_space<vmem_shared>>) offsets(%dma_start3A_202 : memref<128xi32, #tpu.memory_space<vmem>>) semaphore(%arg20 : memref<!tpu.dma_semaphore, #tpu.memory_space<semaphore_mem>>) {add = true}
      %add3A_206 = arith.constant 2 : i32
      %add3A_207 = arith.addi %add3A_97, %add3A_206 : i32
      %lt3A_208 = arith.constant 80 : i32
      %lt3A_209 = arith.cmpi slt, %add3A_207, %lt3A_208 : i32
      %convert_element_type3A_210 = arith.extui %lt3A_209 : i1 to i32
      %cond3A_211 = arith.constant 0 : i32
      %cond3A_212 = arith.cmpi ne, %convert_element_type3A_210, %cond3A_211 : i32
      scf.if %cond3A_212 {
        %add3A_339 = arith.constant 2 : i32
        %add3A_340 = arith.addi %add3A_97, %add3A_339 : i32
        %dma_start3A_341 = arith.constant 0 : i32
        %dma_start3A_342 = arith.constant 0 : i32
        %dma_start3A_343 = arith.constant 0 : i32
        %dma_start3A_344 = tpu.memref_slice %arg6[%dma_start3A_341, %dma_start3A_342, %dma_start3A_343] : memref<1x2x128xi32, #tpu.memory_space<vmem>> -> memref<1x2x128xi32, #tpu.memory_space<vmem>>
        %dma_start3A_345 = tpu.memref_squeeze %dma_start3A_344 : memref<1x2x128xi32, #tpu.memory_space<vmem>> -> memref<2x128xi32, #tpu.memory_space<vmem>>
        %dma_start3A_346 = arith.constant 0 : i32
        %dma_start3A_347 = arith.constant 0 : i32
        %dma_start3A_348 = tpu.memref_slice %arg3[%add3A, %add3A_340, %dma_start3A_346, %dma_start3A_347] : memref<32x80x2x128xi32, #tpu.memory_space<hbm>> -> memref<1x1x2x128xi32, #tpu.memory_space<hbm>>
        %dma_start3A_349 = tpu.memref_squeeze %dma_start3A_348 : memref<1x1x2x128xi32, #tpu.memory_space<hbm>> -> memref<2x128xi32, #tpu.memory_space<hbm>>
        %dma_start3A_350 = arith.constant 0 : i32
        %dma_start3A_351 = arith.constant 0 : i32
        %dma_start3A_352 = tpu.memref_slice %arg6[%dma_start3A_341, %dma_start3A_350, %dma_start3A_351] : memref<1x2x128xi32, #tpu.memory_space<vmem>> -> memref<1x2x128xi32, #tpu.memory_space<vmem>>
        %dma_start3A_353 = tpu.memref_squeeze %dma_start3A_352 : memref<1x2x128xi32, #tpu.memory_space<vmem>> -> memref<2x128xi32, #tpu.memory_space<vmem>>
        %dma_start3A_354 = arith.constant 0 : i32
        %dma_start3A_355 = arith.constant 0 : i32
        %dma_start3A_356 = tpu.memref_slice %arg3[%add3A, %add3A_340, %dma_start3A_354, %dma_start3A_355] : memref<32x80x2x128xi32, #tpu.memory_space<hbm>> -> memref<1x1x2x128xi32, #tpu.memory_space<hbm>>
        %dma_start3A_357 = tpu.memref_squeeze %dma_start3A_356 : memref<1x1x2x128xi32, #tpu.memory_space<hbm>> -> memref<2x128xi32, #tpu.memory_space<hbm>>
        tpu.enqueue_dma source(%dma_start3A_357 : memref<2x128xi32, #tpu.memory_space<hbm>>) target(%dma_start3A_353 : memref<2x128xi32, #tpu.memory_space<vmem>>) target_semaphore(%arg18 : memref<!tpu.dma_semaphore, #tpu.memory_space<semaphore_mem>>)
        %add3A_358 = arith.constant 2 : i32
        %add3A_359 = arith.addi %add3A_97, %add3A_358 : i32
        %dma_start3A_360 = arith.constant 0 : i32
        %dma_start3A_361 = arith.constant 0 : i32
        %dma_start3A_362 = tpu.memref_slice %arg8[%dma_start3A_360, %dma_start3A_361] : memref<1x128xf32, #tpu.memory_space<vmem>> -> memref<1x128xf32, #tpu.memory_space<vmem>>
        %dma_start3A_363 = tpu.memref_squeeze %dma_start3A_362 : memref<1x128xf32, #tpu.memory_space<vmem>> -> memref<128xf32, #tpu.memory_space<vmem>>
        %dma_start3A_364 = arith.constant 0 : i32
        %dma_start3A_365 = tpu.memref_slice %arg4[%add3A, %add3A_359, %dma_start3A_364] : memref<32x80x128xf32, #tpu.memory_space<hbm>> -> memref<1x1x128xf32, #tpu.memory_space<hbm>>
        %dma_start3A_366 = tpu.memref_squeeze %dma_start3A_365 : memref<1x1x128xf32, #tpu.memory_space<hbm>> -> memref<128xf32, #tpu.memory_space<hbm>>
        %dma_start3A_367 = arith.constant 0 : i32
        %dma_start3A_368 = tpu.memref_slice %arg8[%dma_start3A_360, %dma_start3A_367] : memref<1x128xf32, #tpu.memory_space<vmem>> -> memref<1x128xf32, #tpu.memory_space<vmem>>
        %dma_start3A_369 = tpu.memref_squeeze %dma_start3A_368 : memref<1x128xf32, #tpu.memory_space<vmem>> -> memref<128xf32, #tpu.memory_space<vmem>>
        %dma_start3A_370 = arith.constant 0 : i32
        %dma_start3A_371 = tpu.memref_slice %arg4[%add3A, %add3A_359, %dma_start3A_370] : memref<32x80x128xf32, #tpu.memory_space<hbm>> -> memref<1x1x128xf32, #tpu.memory_space<hbm>>
        %dma_start3A_372 = tpu.memref_squeeze %dma_start3A_371 : memref<1x1x128xf32, #tpu.memory_space<hbm>> -> memref<128xf32, #tpu.memory_space<hbm>>
        tpu.enqueue_dma source(%dma_start3A_372 : memref<128xf32, #tpu.memory_space<hbm>>) target(%dma_start3A_369 : memref<128xf32, #tpu.memory_space<vmem>>) target_semaphore(%arg18 : memref<!tpu.dma_semaphore, #tpu.memory_space<semaphore_mem>>)
      } else {
      }
      %mul3A_213 = arith.constant 2 : i32
      %mul3A_214 = arith.muli %mul3A_213, %scan3A_93 : i32
      %add3A_215 = arith.constant 1 : i32
      %add3A_216 = arith.addi %mul3A_214, %add3A_215 : i32
      %dma_wait3A_217 = arith.constant 0 : i32
      %dma_wait3A_218 = arith.constant 0 : i32
      %dma_wait3A_219 = arith.constant 0 : i32
      %dma_wait3A_220 = tpu.memref_slice %arg7[%dma_wait3A_217, %dma_wait3A_218, %dma_wait3A_219] : memref<1x2x128xi32, #tpu.memory_space<vmem>> -> memref<1x1x128xi32, #tpu.memory_space<vmem>>
      %dma_wait3A_221 = tpu.memref_squeeze %dma_wait3A_220 : memref<1x1x128xi32, #tpu.memory_space<vmem>> -> memref<128xi32, #tpu.memory_space<vmem>>
      %dma_wait3A_222 = arith.constant 0 : i32
      %dma_wait3A_223 = arith.constant 0 : i32
      %dma_wait3A_224 = tpu.memref_slice %arg14[%dma_wait3A_222, %dma_wait3A_223] : memref<10240x80xf32, #tpu.memory_space<vmem_shared>> -> memref<10240x80xf32, #tpu.memory_space<vmem_shared>>
      tpu.wait_indirect_dma semaphore(%arg17 : memref<!tpu.dma_semaphore, #tpu.memory_space<semaphore_mem>>) src(%dma_wait3A_224 : memref<10240x80xf32, #tpu.memory_space<vmem_shared>>) dst(%arg11 : memref<128x80xf32, #tpu.memory_space<vmem>>)
      %gt3A_225 = arith.constant 0 : i32
      %gt3A_226 = arith.cmpi sgt, %add3A_216, %gt3A_225 : i32
      %add3A_227 = arith.constant 1 : i32
      %add3A_228 = arith.addi %add3A_216, %add3A_227 : i32
      %lt3A_229 = arith.constant 80 : i32
      %lt3A_230 = arith.cmpi slt, %add3A_228, %lt3A_229 : i32
      %and3A_231 = arith.andi %gt3A_226, %lt3A_230 : i1
      %convert_element_type3A_232 = arith.extui %and3A_231 : i1 to i32
      %cond3A_233 = arith.constant 0 : i32
      %cond3A_234 = arith.cmpi ne, %convert_element_type3A_232, %cond3A_233 : i32
      scf.if %cond3A_234 {
        %dma_wait3A_339 = arith.constant 0 : i32
        %dma_wait3A_340 = arith.constant 0 : i32
        %dma_wait3A_341 = tpu.memref_slice %arg12[%dma_wait3A_339, %dma_wait3A_340] : memref<1x128xi32, #tpu.memory_space<vmem>> -> memref<1x128xi32, #tpu.memory_space<vmem>>
        %dma_wait3A_342 = tpu.memref_squeeze %dma_wait3A_341 : memref<1x128xi32, #tpu.memory_space<vmem>> -> memref<128xi32, #tpu.memory_space<vmem>>
        %dma_wait3A_343 = arith.constant 0 : i32
        %dma_wait3A_344 = arith.constant 0 : i32
        %dma_wait3A_345 = tpu.memref_slice %arg15[%dma_wait3A_343, %dma_wait3A_344] : memref<10240x80xf32, #tpu.memory_space<vmem_shared>> -> memref<10240x80xf32, #tpu.memory_space<vmem_shared>>
        tpu.wait_indirect_dma semaphore(%arg20 : memref<!tpu.dma_semaphore, #tpu.memory_space<semaphore_mem>>) src(%arg10 : memref<128x80xf32, #tpu.memory_space<vmem>>) dst(%dma_wait3A_345 : memref<10240x80xf32, #tpu.memory_space<vmem_shared>>)
      } else {
      }
      %add3A_235 = arith.constant 1 : i32
      %add3A_236 = arith.addi %add3A_216, %add3A_235 : i32
      %lt3A_237 = arith.constant 80 : i32
      %lt3A_238 = arith.cmpi slt, %add3A_236, %lt3A_237 : i32
      %convert_element_type3A_239 = arith.extui %lt3A_238 : i1 to i32
      %cond3A_240 = arith.constant 0 : i32
      %cond3A_241 = arith.cmpi ne, %convert_element_type3A_239, %cond3A_240 : i32
      scf.if %cond3A_241 {
        %dma_wait3A_339 = arith.constant 0 : i32
        %dma_wait3A_340 = arith.constant 0 : i32
        %dma_wait3A_341 = arith.constant 0 : i32
        %dma_wait3A_342 = arith.constant 0 : i32
        %dma_wait3A_343 = tpu.memref_slice %arg6[%dma_wait3A_340, %dma_wait3A_341, %dma_wait3A_342] : memref<1x2x128xi32, #tpu.memory_space<vmem>> -> memref<1x2x128xi32, #tpu.memory_space<vmem>>
        %dma_wait3A_344 = tpu.memref_squeeze %dma_wait3A_343 : memref<1x2x128xi32, #tpu.memory_space<vmem>> -> memref<2x128xi32, #tpu.memory_space<vmem>>
        %dma_wait3A_345 = arith.constant 0 : i32
        %dma_wait3A_346 = arith.constant 0 : i32
        %dma_wait3A_347 = tpu.memref_slice %arg3[%add3A, %dma_wait3A_339, %dma_wait3A_345, %dma_wait3A_346] : memref<32x80x2x128xi32, #tpu.memory_space<hbm>> -> memref<1x1x2x128xi32, #tpu.memory_space<hbm>>
        %dma_wait3A_348 = tpu.memref_squeeze %dma_wait3A_347 : memref<1x1x2x128xi32, #tpu.memory_space<hbm>> -> memref<2x128xi32, #tpu.memory_space<hbm>>
        %dma_wait3A_349 = arith.constant 0 : i32
        %dma_wait3A_350 = arith.constant 0 : i32
        %dma_wait3A_351 = tpu.memref_slice %arg6[%dma_wait3A_340, %dma_wait3A_349, %dma_wait3A_350] : memref<1x2x128xi32, #tpu.memory_space<vmem>> -> memref<1x2x128xi32, #tpu.memory_space<vmem>>
        %dma_wait3A_352 = tpu.memref_squeeze %dma_wait3A_351 : memref<1x2x128xi32, #tpu.memory_space<vmem>> -> memref<2x128xi32, #tpu.memory_space<vmem>>
        %dma_wait3A_353 = arith.constant 0 : i32
        %dma_wait3A_354 = arith.constant 0 : i32
        %dma_wait3A_355 = tpu.memref_slice %arg3[%add3A, %dma_wait3A_339, %dma_wait3A_353, %dma_wait3A_354] : memref<32x80x2x128xi32, #tpu.memory_space<hbm>> -> memref<1x1x2x128xi32, #tpu.memory_space<hbm>>
        %dma_wait3A_356 = tpu.memref_squeeze %dma_wait3A_355 : memref<1x1x2x128xi32, #tpu.memory_space<hbm>> -> memref<2x128xi32, #tpu.memory_space<hbm>>
        tpu.wait_dma2 semaphore(%arg18 : memref<!tpu.dma_semaphore, #tpu.memory_space<semaphore_mem>>) src(%dma_wait3A_356 : memref<2x128xi32, #tpu.memory_space<hbm>>) dst(%dma_wait3A_352 : memref<2x128xi32, #tpu.memory_space<vmem>>)
        %dma_wait3A_357 = arith.constant 0 : i32
        %dma_wait3A_358 = arith.constant 0 : i32
        %dma_wait3A_359 = arith.constant 0 : i32
        %dma_wait3A_360 = tpu.memref_slice %arg8[%dma_wait3A_358, %dma_wait3A_359] : memref<1x128xf32, #tpu.memory_space<vmem>> -> memref<1x128xf32, #tpu.memory_space<vmem>>
        %dma_wait3A_361 = tpu.memref_squeeze %dma_wait3A_360 : memref<1x128xf32, #tpu.memory_space<vmem>> -> memref<128xf32, #tpu.memory_space<vmem>>
        %dma_wait3A_362 = arith.constant 0 : i32
        %dma_wait3A_363 = tpu.memref_slice %arg4[%add3A, %dma_wait3A_357, %dma_wait3A_362] : memref<32x80x128xf32, #tpu.memory_space<hbm>> -> memref<1x1x128xf32, #tpu.memory_space<hbm>>
        %dma_wait3A_364 = tpu.memref_squeeze %dma_wait3A_363 : memref<1x1x128xf32, #tpu.memory_space<hbm>> -> memref<128xf32, #tpu.memory_space<hbm>>
        %dma_wait3A_365 = arith.constant 0 : i32
        %dma_wait3A_366 = tpu.memref_slice %arg8[%dma_wait3A_358, %dma_wait3A_365] : memref<1x128xf32, #tpu.memory_space<vmem>> -> memref<1x128xf32, #tpu.memory_space<vmem>>
        %dma_wait3A_367 = tpu.memref_squeeze %dma_wait3A_366 : memref<1x128xf32, #tpu.memory_space<vmem>> -> memref<128xf32, #tpu.memory_space<vmem>>
        %dma_wait3A_368 = arith.constant 0 : i32
        %dma_wait3A_369 = tpu.memref_slice %arg4[%add3A, %dma_wait3A_357, %dma_wait3A_368] : memref<32x80x128xf32, #tpu.memory_space<hbm>> -> memref<1x1x128xf32, #tpu.memory_space<hbm>>
        %dma_wait3A_370 = tpu.memref_squeeze %dma_wait3A_369 : memref<1x1x128xf32, #tpu.memory_space<hbm>> -> memref<128xf32, #tpu.memory_space<hbm>>
        tpu.wait_dma2 semaphore(%arg18 : memref<!tpu.dma_semaphore, #tpu.memory_space<semaphore_mem>>) src(%dma_wait3A_370 : memref<128xf32, #tpu.memory_space<hbm>>) dst(%dma_wait3A_367 : memref<128xf32, #tpu.memory_space<vmem>>)
        %dma_start3A_371 = arith.constant 0 : i32
        %dma_start3A_372 = arith.constant 0 : i32
        %dma_start3A_373 = arith.constant 0 : i32
        %dma_start3A_374 = tpu.memref_slice %arg6[%dma_start3A_371, %dma_start3A_372, %dma_start3A_373] : memref<1x2x128xi32, #tpu.memory_space<vmem>> -> memref<1x1x128xi32, #tpu.memory_space<vmem>>
        %dma_start3A_375 = tpu.memref_squeeze %dma_start3A_374 : memref<1x1x128xi32, #tpu.memory_space<vmem>> -> memref<128xi32, #tpu.memory_space<vmem>>
        %dma_start3A_376 = arith.constant 0 : i32
        %dma_start3A_377 = arith.constant 0 : i32
        %dma_start3A_378 = tpu.memref_slice %arg14[%dma_start3A_376, %dma_start3A_377] : memref<10240x80xf32, #tpu.memory_space<vmem_shared>> -> memref<10240x80xf32, #tpu.memory_space<vmem_shared>>
        tpu.enqueue_indirect_dma source(%dma_start3A_378 : memref<10240x80xf32, #tpu.memory_space<vmem_shared>>) target(%arg10 : memref<128x80xf32, #tpu.memory_space<vmem>>) offsets(%dma_start3A_375 : memref<128xi32, #tpu.memory_space<vmem>>) semaphore(%arg16 : memref<!tpu.dma_semaphore, #tpu.memory_space<semaphore_mem>>)
      } else {
      }
      %parallel_loop3A_242 = arith.constant 0 : i32
      %parallel_loop3A_243 = arith.constant 128 : i32
      %parallel_loop3A_244 = arith.constant 1 : i32
      scf.for %parallel_loop3A_339 = %parallel_loop3A_242 to %parallel_loop3A_243 step %parallel_loop3A_244  : i32 {
        %parallel_loop3A_340 = arith.constant 0 : i32
        %parallel_loop3A_341 = vector.broadcast %parallel_loop3A_340 : i32 to vector<16xi32>
        %parallel_loop3A_342 = vector.broadcast %parallel_loop3A_339 : i32 to vector<16xi32>
        %parallel_loop3A_343 = tpu.vector_load_idx %arg9[%parallel_loop3A_341, %parallel_loop3A_342] : memref<1x128xf32, #tpu.memory_space<vmem>>[vector<16xi32>, vector<16xi32>], vector<16xf32>,
        %parallel_loop3A_344 = arith.index_cast %parallel_loop3A_339 : i32 to index
        %parallel_loop3A_345 = arith.constant 0 : index
        %parallel_loop3A_346 = tpu.vector_load %arg11[%parallel_loop3A_344, %parallel_loop3A_345] {strides = array<i32>} : memref<128x80xf32, #tpu.memory_space<vmem>>, vector<16xf32>,
        %parallel_loop3A_347 = arith.mulf %parallel_loop3A_346, %parallel_loop3A_343 : vector<16xf32>
        %parallel_loop3A_348 = arith.index_cast %parallel_loop3A_339 : i32 to index
        %parallel_loop3A_349 = arith.constant 0 : index
        %parallel_loop3A_350 = tpu.vector_load %arg11[%parallel_loop3A_348, %parallel_loop3A_349] {strides = array<i32>} : memref<128x80xf32, #tpu.memory_space<vmem>>, vector<16xf32>,
        tpu.vector_store %arg11[%parallel_loop3A_348, %parallel_loop3A_349], %parallel_loop3A_347 {strides = array<i32>} : memref<128x80xf32, #tpu.memory_space<vmem>>, vector<16xf32>,
        %parallel_loop3A_351 = arith.index_cast %parallel_loop3A_339 : i32 to index
        %parallel_loop3A_352 = arith.constant 16 : index
        %parallel_loop3A_353 = tpu.vector_load %arg11[%parallel_loop3A_351, %parallel_loop3A_352] {strides = array<i32>} : memref<128x80xf32, #tpu.memory_space<vmem>>, vector<16xf32>,
        %parallel_loop3A_354 = arith.mulf %parallel_loop3A_353, %parallel_loop3A_343 : vector<16xf32>
        %parallel_loop3A_355 = arith.index_cast %parallel_loop3A_339 : i32 to index
        %parallel_loop3A_356 = arith.constant 16 : index
        %parallel_loop3A_357 = tpu.vector_load %arg11[%parallel_loop3A_355, %parallel_loop3A_356] {strides = array<i32>} : memref<128x80xf32, #tpu.memory_space<vmem>>, vector<16xf32>,
        tpu.vector_store %arg11[%parallel_loop3A_355, %parallel_loop3A_356], %parallel_loop3A_354 {strides = array<i32>} : memref<128x80xf32, #tpu.memory_space<vmem>>, vector<16xf32>,
        %parallel_loop3A_358 = arith.index_cast %parallel_loop3A_339 : i32 to index
        %parallel_loop3A_359 = arith.constant 32 : index
        %parallel_loop3A_360 = tpu.vector_load %arg11[%parallel_loop3A_358, %parallel_loop3A_359] {strides = array<i32>} : memref<128x80xf32, #tpu.memory_space<vmem>>, vector<16xf32>,
        %parallel_loop3A_361 = arith.mulf %parallel_loop3A_360, %parallel_loop3A_343 : vector<16xf32>
        %parallel_loop3A_362 = arith.index_cast %parallel_loop3A_339 : i32 to index
        %parallel_loop3A_363 = arith.constant 32 : index
        %parallel_loop3A_364 = tpu.vector_load %arg11[%parallel_loop3A_362, %parallel_loop3A_363] {strides = array<i32>} : memref<128x80xf32, #tpu.memory_space<vmem>>, vector<16xf32>,
        tpu.vector_store %arg11[%parallel_loop3A_362, %parallel_loop3A_363], %parallel_loop3A_361 {strides = array<i32>} : memref<128x80xf32, #tpu.memory_space<vmem>>, vector<16xf32>,
        %parallel_loop3A_365 = arith.index_cast %parallel_loop3A_339 : i32 to index
        %parallel_loop3A_366 = arith.constant 48 : index
        %parallel_loop3A_367 = tpu.vector_load %arg11[%parallel_loop3A_365, %parallel_loop3A_366] {strides = array<i32>} : memref<128x80xf32, #tpu.memory_space<vmem>>, vector<16xf32>,
        %parallel_loop3A_368 = arith.mulf %parallel_loop3A_367, %parallel_loop3A_343 : vector<16xf32>
        %parallel_loop3A_369 = arith.index_cast %parallel_loop3A_339 : i32 to index
        %parallel_loop3A_370 = arith.constant 48 : index
        %parallel_loop3A_371 = tpu.vector_load %arg11[%parallel_loop3A_369, %parallel_loop3A_370] {strides = array<i32>} : memref<128x80xf32, #tpu.memory_space<vmem>>, vector<16xf32>,
        tpu.vector_store %arg11[%parallel_loop3A_369, %parallel_loop3A_370], %parallel_loop3A_368 {strides = array<i32>} : memref<128x80xf32, #tpu.memory_space<vmem>>, vector<16xf32>,
        %parallel_loop3A_372 = arith.index_cast %parallel_loop3A_339 : i32 to index
        %parallel_loop3A_373 = arith.constant 64 : index
        %parallel_loop3A_374 = tpu.vector_load %arg11[%parallel_loop3A_372, %parallel_loop3A_373] {strides = array<i32>} : memref<128x80xf32, #tpu.memory_space<vmem>>, vector<16xf32>,
        %parallel_loop3A_375 = arith.mulf %parallel_loop3A_374, %parallel_loop3A_343 : vector<16xf32>
        %parallel_loop3A_376 = arith.index_cast %parallel_loop3A_339 : i32 to index
        %parallel_loop3A_377 = arith.constant 64 : index
        %parallel_loop3A_378 = tpu.vector_load %arg11[%parallel_loop3A_376, %parallel_loop3A_377] {strides = array<i32>} : memref<128x80xf32, #tpu.memory_space<vmem>>, vector<16xf32>,
        tpu.vector_store %arg11[%parallel_loop3A_376, %parallel_loop3A_377], %parallel_loop3A_375 {strides = array<i32>} : memref<128x80xf32, #tpu.memory_space<vmem>>, vector<16xf32>,
      } {sc.loop_unroll_factor = 4 : i64, sc.parallel_access}
      %get3A_245 = arith.constant 0 : i32
      %get3A_246 = arith.constant 1 : i32
      %get3A_247 = arith.index_cast %get3A_245 : i32 to index
      %get3A_248 = arith.index_cast %get3A_246 : i32 to index
      %get3A_249 = arith.constant 0 : index
      %get3A_250 = tpu.vector_load %arg7[%get3A_247, %get3A_248, %get3A_249] {strides = array<i32>} : memref<1x2x128xi32, #tpu.memory_space<vmem>>, vector<16xi32>,
      %swap3A_251 = arith.constant 0 : i32
      %swap3A_252 = arith.index_cast %swap3A_251 : i32 to index
      %swap3A_253 = arith.constant 0 : index
      %swap3A_254 = tpu.vector_load %arg13[%swap3A_252, %swap3A_253] {strides = array<i32>} : memref<1x128xi32, #tpu.memory_space<vmem>>, vector<16xi32>,
      tpu.vector_store %arg13[%swap3A_252, %swap3A_253], %get3A_250 {strides = array<i32>} : memref<1x128xi32, #tpu.memory_space<vmem>>, vector<16xi32>,
      %get3A_255 = arith.constant 0 : i32
      %get3A_256 = arith.constant 1 : i32
      %get3A_257 = arith.index_cast %get3A_255 : i32 to index
      %get3A_258 = arith.index_cast %get3A_256 : i32 to index
      %get3A_259 = arith.constant 16 : index
      %get3A_260 = tpu.vector_load %arg7[%get3A_257, %get3A_258, %get3A_259] {strides = array<i32>} : memref<1x2x128xi32, #tpu.memory_space<vmem>>, vector<16xi32>,
      %swap3A_261 = arith.constant 0 : i32
      %swap3A_262 = arith.index_cast %swap3A_261 : i32 to index
      %swap3A_263 = arith.constant 16 : index
      %swap3A_264 = tpu.vector_load %arg13[%swap3A_262, %swap3A_263] {strides = array<i32>} : memref<1x128xi32, #tpu.memory_space<vmem>>, vector<16xi32>,
      tpu.vector_store %arg13[%swap3A_262, %swap3A_263], %get3A_260 {strides = array<i32>} : memref<1x128xi32, #tpu.memory_space<vmem>>, vector<16xi32>,
      %get3A_265 = arith.constant 0 : i32
      %get3A_266 = arith.constant 1 : i32
      %get3A_267 = arith.index_cast %get3A_265 : i32 to index
      %get3A_268 = arith.index_cast %get3A_266 : i32 to index
      %get3A_269 = arith.constant 32 : index
      %get3A_270 = tpu.vector_load %arg7[%get3A_267, %get3A_268, %get3A_269] {strides = array<i32>} : memref<1x2x128xi32, #tpu.memory_space<vmem>>, vector<16xi32>,
      %swap3A_271 = arith.constant 0 : i32
      %swap3A_272 = arith.index_cast %swap3A_271 : i32 to index
      %swap3A_273 = arith.constant 32 : index
      %swap3A_274 = tpu.vector_load %arg13[%swap3A_272, %swap3A_273] {strides = array<i32>} : memref<1x128xi32, #tpu.memory_space<vmem>>, vector<16xi32>,
      tpu.vector_store %arg13[%swap3A_272, %swap3A_273], %get3A_270 {strides = array<i32>} : memref<1x128xi32, #tpu.memory_space<vmem>>, vector<16xi32>,
      %get3A_275 = arith.constant 0 : i32
      %get3A_276 = arith.constant 1 : i32
      %get3A_277 = arith.index_cast %get3A_275 : i32 to index
      %get3A_278 = arith.index_cast %get3A_276 : i32 to index
      %get3A_279 = arith.constant 48 : index
      %get3A_280 = tpu.vector_load %arg7[%get3A_277, %get3A_278, %get3A_279] {strides = array<i32>} : memref<1x2x128xi32, #tpu.memory_space<vmem>>, vector<16xi32>,
      %swap3A_281 = arith.constant 0 : i32
      %swap3A_282 = arith.index_cast %swap3A_281 : i32 to index
      %swap3A_283 = arith.constant 48 : index
      %swap3A_284 = tpu.vector_load %arg13[%swap3A_282, %swap3A_283] {strides = array<i32>} : memref<1x128xi32, #tpu.memory_space<vmem>>, vector<16xi32>,
      tpu.vector_store %arg13[%swap3A_282, %swap3A_283], %get3A_280 {strides = array<i32>} : memref<1x128xi32, #tpu.memory_space<vmem>>, vector<16xi32>,
      %get3A_285 = arith.constant 0 : i32
      %get3A_286 = arith.constant 1 : i32
      %get3A_287 = arith.index_cast %get3A_285 : i32 to index
      %get3A_288 = arith.index_cast %get3A_286 : i32 to index
      %get3A_289 = arith.constant 64 : index
      %get3A_290 = tpu.vector_load %arg7[%get3A_287, %get3A_288, %get3A_289] {strides = array<i32>} : memref<1x2x128xi32, #tpu.memory_space<vmem>>, vector<16xi32>,
      %swap3A_291 = arith.constant 0 : i32
      %swap3A_292 = arith.index_cast %swap3A_291 : i32 to index
      %swap3A_293 = arith.constant 64 : index
      %swap3A_294 = tpu.vector_load %arg13[%swap3A_292, %swap3A_293] {strides = array<i32>} : memref<1x128xi32, #tpu.memory_space<vmem>>, vector<16xi32>,
      tpu.vector_store %arg13[%swap3A_292, %swap3A_293], %get3A_290 {strides = array<i32>} : memref<1x128xi32, #tpu.memory_space<vmem>>, vector<16xi32>,
      %get3A_295 = arith.constant 0 : i32
      %get3A_296 = arith.constant 1 : i32
      %get3A_297 = arith.index_cast %get3A_295 : i32 to index
      %get3A_298 = arith.index_cast %get3A_296 : i32 to index
      %get3A_299 = arith.constant 80 : index
      %get3A_300 = tpu.vector_load %arg7[%get3A_297, %get3A_298, %get3A_299] {strides = array<i32>} : memref<1x2x128xi32, #tpu.memory_space<vmem>>, vector<16xi32>,
      %swap3A_301 = arith.constant 0 : i32
      %swap3A_302 = arith.index_cast %swap3A_301 : i32 to index
      %swap3A_303 = arith.constant 80 : index
      %swap3A_304 = tpu.vector_load %arg13[%swap3A_302, %swap3A_303] {strides = array<i32>} : memref<1x128xi32, #tpu.memory_space<vmem>>, vector<16xi32>,
      tpu.vector_store %arg13[%swap3A_302, %swap3A_303], %get3A_300 {strides = array<i32>} : memref<1x128xi32, #tpu.memory_space<vmem>>, vector<16xi32>,
      %get3A_305 = arith.constant 0 : i32
      %get3A_306 = arith.constant 1 : i32
      %get3A_307 = arith.index_cast %get3A_305 : i32 to index
      %get3A_308 = arith.index_cast %get3A_306 : i32 to index
      %get3A_309 = arith.constant 96 : index
      %get3A_310 = tpu.vector_load %arg7[%get3A_307, %get3A_308, %get3A_309] {strides = array<i32>} : memref<1x2x128xi32, #tpu.memory_space<vmem>>, vector<16xi32>,
      %swap3A_311 = arith.constant 0 : i32
      %swap3A_312 = arith.index_cast %swap3A_311 : i32 to index
      %swap3A_313 = arith.constant 96 : index
      %swap3A_314 = tpu.vector_load %arg13[%swap3A_312, %swap3A_313] {strides = array<i32>} : memref<1x128xi32, #tpu.memory_space<vmem>>, vector<16xi32>,
      tpu.vector_store %arg13[%swap3A_312, %swap3A_313], %get3A_310 {strides = array<i32>} : memref<1x128xi32, #tpu.memory_space<vmem>>, vector<16xi32>,
      %get3A_315 = arith.constant 0 : i32
      %get3A_316 = arith.constant 1 : i32
      %get3A_317 = arith.index_cast %get3A_315 : i32 to index
      %get3A_318 = arith.index_cast %get3A_316 : i32 to index
      %get3A_319 = arith.constant 112 : index
      %get3A_320 = tpu.vector_load %arg7[%get3A_317, %get3A_318, %get3A_319] {strides = array<i32>} : memref<1x2x128xi32, #tpu.memory_space<vmem>>, vector<16xi32>,
      %swap3A_321 = arith.constant 0 : i32
      %swap3A_322 = arith.index_cast %swap3A_321 : i32 to index
      %swap3A_323 = arith.constant 112 : index
      %swap3A_324 = tpu.vector_load %arg13[%swap3A_322, %swap3A_323] {strides = array<i32>} : memref<1x128xi32, #tpu.memory_space<vmem>>, vector<16xi32>,
      tpu.vector_store %arg13[%swap3A_322, %swap3A_323], %get3A_320 {strides = array<i32>} : memref<1x128xi32, #tpu.memory_space<vmem>>, vector<16xi32>,
      %dma_start3A_325 = arith.constant 0 : i32
      %dma_start3A_326 = arith.constant 0 : i32
      %dma_start3A_327 = tpu.memref_slice %arg13[%dma_start3A_325, %dma_start3A_326] : memref<1x128xi32, #tpu.memory_space<vmem>> -> memref<1x128xi32, #tpu.memory_space<vmem>>
      %dma_start3A_328 = tpu.memref_squeeze %dma_start3A_327 : memref<1x128xi32, #tpu.memory_space<vmem>> -> memref<128xi32, #tpu.memory_space<vmem>>
      %dma_start3A_329 = arith.constant 0 : i32
      %dma_start3A_330 = arith.constant 0 : i32
      %dma_start3A_331 = tpu.memref_slice %arg15[%dma_start3A_329, %dma_start3A_330] : memref<10240x80xf32, #tpu.memory_space<vmem_shared>> -> memref<10240x80xf32, #tpu.memory_space<vmem_shared>>
      tpu.enqueue_indirect_dma source(%arg11 : memref<128x80xf32, #tpu.memory_space<vmem>>) target(%dma_start3A_331 : memref<10240x80xf32, #tpu.memory_space<vmem_shared>>) offsets(%dma_start3A_328 : memref<128xi32, #tpu.memory_space<vmem>>) semaphore(%arg21 : memref<!tpu.dma_semaphore, #tpu.memory_space<semaphore_mem>>) {add = true}
      %add3A_332 = arith.constant 2 : i32
      %add3A_333 = arith.addi %add3A_216, %add3A_332 : i32
      %lt3A_334 = arith.constant 80 : i32
      %lt3A_335 = arith.cmpi slt, %add3A_333, %lt3A_334 : i32
      %convert_element_type3A_336 = arith.extui %lt3A_335 : i1 to i32
      %cond3A_337 = arith.constant 0 : i32
      %cond3A_338 = arith.cmpi ne, %convert_element_type3A_336, %cond3A_337 : i32
      scf.if %cond3A_338 {
        %add3A_339 = arith.constant 2 : i32
        %add3A_340 = arith.addi %add3A_216, %add3A_339 : i32
        %dma_start3A_341 = arith.constant 0 : i32
        %dma_start3A_342 = arith.constant 0 : i32
        %dma_start3A_343 = arith.constant 0 : i32
        %dma_start3A_344 = tpu.memref_slice %arg7[%dma_start3A_341, %dma_start3A_342, %dma_start3A_343] : memref<1x2x128xi32, #tpu.memory_space<vmem>> -> memref<1x2x128xi32, #tpu.memory_space<vmem>>
        %dma_start3A_345 = tpu.memref_squeeze %dma_start3A_344 : memref<1x2x128xi32, #tpu.memory_space<vmem>> -> memref<2x128xi32, #tpu.memory_space<vmem>>
        %dma_start3A_346 = arith.constant 0 : i32
        %dma_start3A_347 = arith.constant 0 : i32
        %dma_start3A_348 = tpu.memref_slice %arg3[%add3A, %add3A_340, %dma_start3A_346, %dma_start3A_347] : memref<32x80x2x128xi32, #tpu.memory_space<hbm>> -> memref<1x1x2x128xi32, #tpu.memory_space<hbm>>
        %dma_start3A_349 = tpu.memref_squeeze %dma_start3A_348 : memref<1x1x2x128xi32, #tpu.memory_space<hbm>> -> memref<2x128xi32, #tpu.memory_space<hbm>>
        %dma_start3A_350 = arith.constant 0 : i32
        %dma_start3A_351 = arith.constant 0 : i32
        %dma_start3A_352 = tpu.memref_slice %arg7[%dma_start3A_341, %dma_start3A_350, %dma_start3A_351] : memref<1x2x128xi32, #tpu.memory_space<vmem>> -> memref<1x2x128xi32, #tpu.memory_space<vmem>>
        %dma_start3A_353 = tpu.memref_squeeze %dma_start3A_352 : memref<1x2x128xi32, #tpu.memory_space<vmem>> -> memref<2x128xi32, #tpu.memory_space<vmem>>
        %dma_start3A_354 = arith.constant 0 : i32
        %dma_start3A_355 = arith.constant 0 : i32
        %dma_start3A_356 = tpu.memref_slice %arg3[%add3A, %add3A_340, %dma_start3A_354, %dma_start3A_355] : memref<32x80x2x128xi32, #tpu.memory_space<hbm>> -> memref<1x1x2x128xi32, #tpu.memory_space<hbm>>
        %dma_start3A_357 = tpu.memref_squeeze %dma_start3A_356 : memref<1x1x2x128xi32, #tpu.memory_space<hbm>> -> memref<2x128xi32, #tpu.memory_space<hbm>>
        tpu.enqueue_dma source(%dma_start3A_357 : memref<2x128xi32, #tpu.memory_space<hbm>>) target(%dma_start3A_353 : memref<2x128xi32, #tpu.memory_space<vmem>>) target_semaphore(%arg19 : memref<!tpu.dma_semaphore, #tpu.memory_space<semaphore_mem>>)
        %add3A_358 = arith.constant 2 : i32
        %add3A_359 = arith.addi %add3A_216, %add3A_358 : i32
        %dma_start3A_360 = arith.constant 0 : i32
        %dma_start3A_361 = arith.constant 0 : i32
        %dma_start3A_362 = tpu.memref_slice %arg9[%dma_start3A_360, %dma_start3A_361] : memref<1x128xf32, #tpu.memory_space<vmem>> -> memref<1x128xf32, #tpu.memory_space<vmem>>
        %dma_start3A_363 = tpu.memref_squeeze %dma_start3A_362 : memref<1x128xf32, #tpu.memory_space<vmem>> -> memref<128xf32, #tpu.memory_space<vmem>>
        %dma_start3A_364 = arith.constant 0 : i32
        %dma_start3A_365 = tpu.memref_slice %arg4[%add3A, %add3A_359, %dma_start3A_364] : memref<32x80x128xf32, #tpu.memory_space<hbm>> -> memref<1x1x128xf32, #tpu.memory_space<hbm>>
        %dma_start3A_366 = tpu.memref_squeeze %dma_start3A_365 : memref<1x1x128xf32, #tpu.memory_space<hbm>> -> memref<128xf32, #tpu.memory_space<hbm>>
        %dma_start3A_367 = arith.constant 0 : i32
        %dma_start3A_368 = tpu.memref_slice %arg9[%dma_start3A_360, %dma_start3A_367] : memref<1x128xf32, #tpu.memory_space<vmem>> -> memref<1x128xf32, #tpu.memory_space<vmem>>
        %dma_start3A_369 = tpu.memref_squeeze %dma_start3A_368 : memref<1x128xf32, #tpu.memory_space<vmem>> -> memref<128xf32, #tpu.memory_space<vmem>>
        %dma_start3A_370 = arith.constant 0 : i32
        %dma_start3A_371 = tpu.memref_slice %arg4[%add3A, %add3A_359, %dma_start3A_370] : memref<32x80x128xf32, #tpu.memory_space<hbm>> -> memref<1x1x128xf32, #tpu.memory_space<hbm>>
        %dma_start3A_372 = tpu.memref_squeeze %dma_start3A_371 : memref<1x1x128xf32, #tpu.memory_space<hbm>> -> memref<128xf32, #tpu.memory_space<hbm>>
        tpu.enqueue_dma source(%dma_start3A_372 : memref<128xf32, #tpu.memory_space<hbm>>) target(%dma_start3A_369 : memref<128xf32, #tpu.memory_space<vmem>>) target_semaphore(%arg19 : memref<!tpu.dma_semaphore, #tpu.memory_space<semaphore_mem>>)
      } else {
      }
    }
    %scan3A_74 = arith.constant 40 : i32
    %dma_wait3A = arith.constant 0 : i32
    %dma_wait3A_75 = arith.constant 0 : i32
    %dma_wait3A_76 = tpu.memref_slice %arg12[%dma_wait3A, %dma_wait3A_75] : memref<1x128xi32, #tpu.memory_space<vmem>> -> memref<1x128xi32, #tpu.memory_space<vmem>>
    %dma_wait3A_77 = tpu.memref_squeeze %dma_wait3A_76 : memref<1x128xi32, #tpu.memory_space<vmem>> -> memref<128xi32, #tpu.memory_space<vmem>>
    %dma_wait3A_78 = arith.constant 0 : i32
    %dma_wait3A_79 = arith.constant 0 : i32
    %dma_wait3A_80 = tpu.memref_slice %arg15[%dma_wait3A_78, %dma_wait3A_79] : memref<10240x80xf32, #tpu.memory_space<vmem_shared>> -> memref<10240x80xf32, #tpu.memory_space<vmem_shared>>
    tpu.wait_indirect_dma semaphore(%arg20 : memref<!tpu.dma_semaphore, #tpu.memory_space<semaphore_mem>>) src(%arg10 : memref<128x80xf32, #tpu.memory_space<vmem>>) dst(%dma_wait3A_80 : memref<10240x80xf32, #tpu.memory_space<vmem_shared>>)
    %dma_wait3A_81 = arith.constant 0 : i32
    %dma_wait3A_82 = arith.constant 0 : i32
    %dma_wait3A_83 = tpu.memref_slice %arg13[%dma_wait3A_81, %dma_wait3A_82] : memref<1x128xi32, #tpu.memory_space<vmem>> -> memref<1x128xi32, #tpu.memory_space<vmem>>
    %dma_wait3A_84 = tpu.memref_squeeze %dma_wait3A_83 : memref<1x128xi32, #tpu.memory_space<vmem>> -> memref<128xi32, #tpu.memory_space<vmem>>
    %dma_wait3A_85 = arith.constant 0 : i32
    %dma_wait3A_86 = arith.constant 0 : i32
    %dma_wait3A_87 = tpu.memref_slice %arg15[%dma_wait3A_85, %dma_wait3A_86] : memref<10240x80xf32, #tpu.memory_space<vmem_shared>> -> memref<10240x80xf32, #tpu.memory_space<vmem_shared>>
    tpu.wait_indirect_dma semaphore(%arg21 : memref<!tpu.dma_semaphore, #tpu.memory_space<semaphore_mem>>) src(%arg11 : memref<128x80xf32, #tpu.memory_space<vmem>>) dst(%dma_wait3A_87 : memref<10240x80xf32, #tpu.memory_space<vmem_shared>>)
    %barrier3A_88 = arith.constant 0 : index
    tpu.barrier barrier_id(%barrier3A_88)
    %mul3A_89 = arith.constant 640 : i32
    %mul3A_90 = arith.muli %arg1, %mul3A_89 : i32
    %mul3A_91 = arith.constant 640 : i32
    %mul3A_92 = arith.muli %arg1, %mul3A_91 : i32
    "tpu.region"() ({
      %run_scoped3A_93 = tpu.sem_alloc : memref<!tpu.dma_semaphore, #tpu.memory_space<semaphore_mem>>
      %dma_start3A_94 = arith.constant 0 : i32
      %dma_start3A_95 = tpu.memref_slice %arg5[%arg0, %mul3A_92, %dma_start3A_94] : memref<2x10240x80xf32, #tpu.memory_space<hbm>> -> memref<1x640x80xf32, #tpu.memory_space<hbm>>
      %dma_start3A_96 = tpu.memref_squeeze %dma_start3A_95 : memref<1x640x80xf32, #tpu.memory_space<hbm>> -> memref<640x80xf32, #tpu.memory_space<hbm>>
      %dma_start3A_97 = arith.constant 0 : i32
      %dma_start3A_98 = tpu.memref_slice %arg15[%mul3A_90, %dma_start3A_97] : memref<10240x80xf32, #tpu.memory_space<vmem_shared>> -> memref<640x80xf32, #tpu.memory_space<vmem_shared>>
      tpu.enqueue_dma source(%dma_start3A_98 : memref<640x80xf32, #tpu.memory_space<vmem_shared>>) target(%dma_start3A_96 : memref<640x80xf32, #tpu.memory_space<hbm>>) target_semaphore(%run_scoped3A_93 : memref<!tpu.dma_semaphore, #tpu.memory_space<semaphore_mem>>)
      %dma_wait3A_99 = arith.constant 0 : i32
      %dma_wait3A_100 = tpu.memref_slice %arg5[%arg0, %mul3A_92, %dma_wait3A_99] : memref<2x10240x80xf32, #tpu.memory_space<hbm>> -> memref<1x640x80xf32, #tpu.memory_space<hbm>>
      %dma_wait3A_101 = tpu.memref_squeeze %dma_wait3A_100 : memref<1x640x80xf32, #tpu.memory_space<hbm>> -> memref<640x80xf32, #tpu.memory_space<hbm>>
      %dma_wait3A_102 = arith.constant 0 : i32
      %dma_wait3A_103 = tpu.memref_slice %arg15[%mul3A_90, %dma_wait3A_102] : memref<10240x80xf32, #tpu.memory_space<vmem_shared>> -> memref<640x80xf32, #tpu.memory_space<vmem_shared>>
      tpu.wait_dma2 semaphore(%run_scoped3A_93 : memref<!tpu.dma_semaphore, #tpu.memory_space<semaphore_mem>>) src(%dma_wait3A_103 : memref<640x80xf32, #tpu.memory_space<vmem_shared>>) dst(%dma_wait3A_101 : memref<640x80xf32, #tpu.memory_space<hbm>>)
      tpu.yield
    }) : () -> ()
    return
  }
}

module attributes {stable_mosaic.version = 14 : i64} {
  func.func @_tc1_body(%arg0: i32, %arg1: memref<1024x128xf32, #tpu.memory_space<vmem>>, %arg2: memref<2x128xf32, #tpu.memory_space<vmem>>, %arg3: memref<1x1xf32, #tpu.memory_space<vmem>>, %arg4: memref<128x64xf32, #tpu.memory_space<vmem>>, %arg5: memref<1x64xf32, #tpu.memory_space<vmem>>, %arg6: memref<1024x80xf32, #tpu.memory_space<vmem>>, %arg7: memref<2x1024xf32, #tpu.memory_space<vmem>>) attributes {dimension_semantics = [#tpu.dimension_semantics<arbitrary>], iteration_bounds = array<i64: 10>, scalar_prefetch = 0 : i64, scratch_operands = 0 : i64, tpu.core_type = #tpu.core_type<tc>, window_params = [{transform_indices = @transform_0, window_bounds = array<i64: 1024, 128>}, {pipeline_mode = #tpu.pipeline_mode<synchronous>, transform_indices = @transform_1, window_bounds = array<i64: 2, 128>}, {pipeline_mode = #tpu.pipeline_mode<synchronous>, transform_indices = @transform_2, window_bounds = array<i64: 1, 1>}, {pipeline_mode = #tpu.pipeline_mode<synchronous>, transform_indices = @transform_3, window_bounds = array<i64: 128, 64>}, {pipeline_mode = #tpu.pipeline_mode<synchronous>, transform_indices = @transform_4, window_bounds = array<i64: 1, 64>}, {transform_indices = @transform_5, window_bounds = array<i64: 1024, 80>}, {transform_indices = @transform_6, window_bounds = array<i64: 2, 1024>}]} {
    %get3A = arith.constant 0 : index
    %get3A_0 = arith.constant 0 : index
    %get3A_1 = vector.load %arg1[%get3A, %get3A_0] : memref<1024x128xf32, #tpu.memory_space<vmem>>, vector<1024x128xf32>
    %get3A_2 = arith.constant 0 : index
    %get3A_3 = arith.constant 0 : index
    %get3A_4 = vector.load %arg4[%get3A_2, %get3A_3] : memref<128x64xf32, #tpu.memory_space<vmem>>, vector<128x64xf32>
    %dot_general3A = arith.constant dense<0.000000e+00> : vector<1024x64xf32>
    %dot_general3A_5 = tpu.matmul %get3A_1, %get3A_4, %dot_general3A {dimension_numbers = #tpu.dot_dimension_numbers<[1], [0], [0], [1], [0, 0, 1, 1], [], []>, transpose_lhs_hint = false} : vector<1024x128xf32>, vector<128x64xf32>, vector<1024x64xf32> -> vector<1024x64xf32>
    %get3A_6 = arith.constant 0 : index
    %get3A_7 = arith.constant 0 : index
    %get3A_8 = vector.load %arg5[%get3A_6, %get3A_7] : memref<1x64xf32, #tpu.memory_space<vmem>>, vector<1x64xf32>
    %add3A = vector.broadcast %get3A_8 : vector<1x64xf32> to vector<1024x64xf32>
    %add3A_9 = arith.addf %dot_general3A_5, %add3A : vector<1024x64xf32>
    %max3A = arith.constant 0.000000e+00 : f32
    %max3A_10 = vector.broadcast %max3A : f32 to vector<1024x64xf32>
    %max3A_11 = arith.maximumf %add3A_9, %max3A_10 : vector<1024x64xf32>
    %abs3A = math.absf %add3A_9 : vector<1024x64xf32>
    %neg3A = arith.constant 0.000000e+00 : f32
    %neg3A_12 = vector.broadcast %neg3A : f32 to vector<1024x64xf32>
    %neg3A_13 = arith.subf %neg3A_12, %abs3A : vector<1024x64xf32>
    %exp3A = math.exp %neg3A_13 : vector<1024x64xf32>
    %add3A_14 = arith.constant 1.000000e+00 : f32
    %add3A_15 = vector.broadcast %add3A_14 : f32 to vector<1024x64xf32>
    %add3A_16 = arith.addf %add3A_15, %exp3A : vector<1024x64xf32>
    %log3A = math.log %add3A_16 : vector<1024x64xf32>
    %add3A_17 = arith.addf %max3A_11, %log3A : vector<1024x64xf32>
    %tanh3A = math.tanh %add3A_17 : vector<1024x64xf32>
    %mul3A = arith.mulf %add3A_9, %tanh3A : vector<1024x64xf32>
    %broadcast_in_dim3A = arith.constant 1.000000e+00 : f32
    %broadcast_in_dim3A_18 = vector.broadcast %broadcast_in_dim3A : f32 to vector<1024x16xf32>
    %concatenate3A = tpu.concatenate %mul3A, %broadcast_in_dim3A_18 in 1 : vector<1024x64xf32>, vector<1024x16xf32> -> vector<1024x80xf32>
    %swap3A = arith.constant 0 : index
    %swap3A_19 = arith.constant 0 : index
    %swap3A_20 = vector.load %arg6[%swap3A, %swap3A_19] : memref<1024x80xf32, #tpu.memory_space<vmem>>, vector<1024x80xf32>
    tpu.vector_store %arg6[%swap3A, %swap3A_19], %concatenate3A {strides = array<i32>} : memref<1024x80xf32, #tpu.memory_space<vmem>>, vector<1024x80xf32>,
    %get3A_21 = arith.constant 0 : index
    %get3A_22 = arith.constant 0 : index
    %get3A_23 = vector.load %arg2[%get3A_21, %get3A_22] : memref<2x128xf32, #tpu.memory_space<vmem>>, vector<2x128xf32>
    %dot_general3A_24 = arith.constant dense<0.000000e+00> : vector<2x1024xf32>
    %dot_general3A_25 = tpu.matmul %get3A_23, %get3A_1, %dot_general3A_24 {dimension_numbers = #tpu.dot_dimension_numbers<[1], [1], [0], [0], [0, 0, 1, 0], [], []>, transpose_lhs_hint = false} : vector<2x128xf32>, vector<1024x128xf32>, vector<2x1024xf32> -> vector<2x1024xf32>
    %get3A_26 = arith.constant 0 : index
    %get3A_27 = arith.constant 0 : index
    %get3A_28 = vector.load %arg3[%get3A_26, %get3A_27] : memref<1x1xf32, #tpu.memory_space<vmem>>, vector<1x1xf32>
    %add3A_29 = vector.broadcast %get3A_28 : vector<1x1xf32> to vector<2x1024xf32>
    %add3A_30 = arith.addf %dot_general3A_25, %add3A_29 : vector<2x1024xf32>
    %swap3A_31 = arith.constant 0 : index
    %swap3A_32 = arith.constant 0 : index
    %swap3A_33 = vector.load %arg7[%swap3A_31, %swap3A_32] : memref<2x1024xf32, #tpu.memory_space<vmem>>, vector<2x1024xf32>
    tpu.vector_store %arg7[%swap3A_31, %swap3A_32], %add3A_30 {strides = array<i32>} : memref<2x1024xf32, #tpu.memory_space<vmem>>, vector<2x1024xf32>,
    return
  }
  func.func @transform_0(%arg0: i32) -> (i32, i32) {
    %c0_i32 = arith.constant 0 : i32
    %c0_i32_0 = arith.constant 0 : i32
    return %arg0, %c0_i32 : i32, i32
  }
  func.func @transform_1(%arg0: i32) -> (i32, i32) {
    %c0_i32 = arith.constant 0 : i32
    %c0_i32_0 = arith.constant 0 : i32
    %c0_i32_1 = arith.constant 0 : i32
    return %c0_i32, %c0_i32_0 : i32, i32
  }
  func.func @transform_2(%arg0: i32) -> (i32, i32) {
    %c0_i32 = arith.constant 0 : i32
    %c0_i32_0 = arith.constant 0 : i32
    %c0_i32_1 = arith.constant 0 : i32
    return %c0_i32, %c0_i32_0 : i32, i32
  }
  func.func @transform_3(%arg0: i32) -> (i32, i32) {
    %c0_i32 = arith.constant 0 : i32
    %c0_i32_0 = arith.constant 0 : i32
    %c0_i32_1 = arith.constant 0 : i32
    return %c0_i32, %c0_i32_0 : i32, i32
  }
  func.func @transform_4(%arg0: i32) -> (i32, i32) {
    %c0_i32 = arith.constant 0 : i32
    %c0_i32_0 = arith.constant 0 : i32
    %c0_i32_1 = arith.constant 0 : i32
    return %c0_i32, %c0_i32_0 : i32, i32
  }
  func.func @transform_5(%arg0: i32) -> (i32, i32) {
    %c0_i32 = arith.constant 0 : i32
    %c0_i32_0 = arith.constant 0 : i32
    return %arg0, %c0_i32 : i32, i32
  }
  func.func @transform_6(%arg0: i32) -> (i32, i32) {
    %c0_i32 = arith.constant 0 : i32
    %c0_i32_0 = arith.constant 0 : i32
    return %c0_i32, %arg0 : i32, i32
  }
}

module attributes {stable_mosaic.version = 14 : i64} {
  func.func @_tc2_body(%arg0: i32, %arg1: memref<2x1024x80xf32, #tpu.memory_space<vmem>>, %arg2: memref<1024x64xf32, #tpu.memory_space<vmem>>) attributes {dimension_semantics = [#tpu.dimension_semantics<arbitrary>], iteration_bounds = array<i64: 10>, scalar_prefetch = 0 : i64, scratch_operands = 0 : i64, tpu.core_type = #tpu.core_type<tc>, window_params = [{transform_indices = @transform_0, window_bounds = array<i64: 2, 1024, 80>}, {transform_indices = @transform_1, window_bounds = array<i64: 1024, 64>}]} {
    %get3A = arith.constant 0 : index
    %get3A_0 = arith.constant 0 : index
    %get3A_1 = arith.constant 0 : index
    %get3A_2 = vector.load %arg1[%get3A, %get3A_0, %get3A_1] : memref<2x1024x80xf32, #tpu.memory_space<vmem>>, vector<1x1024x80xf32>
    %get3A_3 = vector.shape_cast %get3A_2 : vector<1x1024x80xf32> to vector<1024x80xf32>
    %get3A_4 = arith.constant 1 : index
    %get3A_5 = arith.constant 0 : index
    %get3A_6 = arith.constant 0 : index
    %get3A_7 = vector.load %arg1[%get3A_4, %get3A_5, %get3A_6] : memref<2x1024x80xf32, #tpu.memory_space<vmem>>, vector<1x1024x80xf32>
    %get3A_8 = vector.shape_cast %get3A_7 : vector<1x1024x80xf32> to vector<1024x80xf32>
    %add3A = arith.addf %get3A_3, %get3A_8 : vector<1024x80xf32>
    %slice3A = vector.extract_strided_slice %add3A {offsets = [0, 0], sizes = [1024, 64], strides = [1, 1]} : vector<1024x80xf32> to vector<1024x64xf32>
    %slice3A_9 = vector.extract_strided_slice %add3A {offsets = [0, 64], sizes = [1024, 1], strides = [1, 1]} : vector<1024x80xf32> to vector<1024x1xf32>
    %gt3A = arith.constant 0.000000e+00 : f32
    %gt3A_10 = vector.broadcast %gt3A : f32 to vector<1024x1xf32>
    %gt3A_11 = arith.cmpf ogt, %slice3A_9, %gt3A_10 : vector<1024x1xf32>
    %jit3A = arith.constant 1.000000e+00 : f32
    %broadcast_in_dim3A = vector.broadcast %jit3A : f32 to vector<1024x1xf32>
    %select_n3A = arith.select %gt3A_11, %slice3A_9, %broadcast_in_dim3A : vector<1024x1xi1>, vector<1024x1xf32>
    %div3A = vector.broadcast %select_n3A : vector<1024x1xf32> to vector<1024x64xf32>
    %div3A_12 = arith.divf %slice3A, %div3A : vector<1024x64xf32>
    %swap3A = arith.constant 0 : index
    %swap3A_13 = arith.constant 0 : index
    %swap3A_14 = vector.load %arg2[%swap3A, %swap3A_13] : memref<1024x64xf32, #tpu.memory_space<vmem>>, vector<1024x64xf32>
    tpu.vector_store %arg2[%swap3A, %swap3A_13], %div3A_12 {strides = array<i32>} : memref<1024x64xf32, #tpu.memory_space<vmem>>, vector<1024x64xf32>,
    return
  }
  func.func @transform_0(%arg0: i32) -> (i32, i32, i32) {
    %c0_i32 = arith.constant 0 : i32
    %c0_i32_0 = arith.constant 0 : i32
    %c0_i32_1 = arith.constant 0 : i32
    return %c0_i32, %arg0, %c0_i32_0 : i32, i32, i32
  }
  func.func @transform_1(%arg0: i32) -> (i32, i32) {
    %c0_i32 = arith.constant 0 : i32
    %c0_i32_0 = arith.constant 0 : i32
    return %arg0, %c0_i32 : i32, i32
  }
}

</mosaic_0001>

<sc_bundles>
// kernel: kernel.6.cloned.1.call-start
scs
__scs_entry_jumppad:
0x0: {  	(pc) =	sbr.rel $0x88, $3  }
0x1: {  	(tag) =	ssettag $0x0;
	lr =	simm.s32 $0x1  }
0x2: {  	[smem:$0x3F9B] =	sst lr;
	_ =	strace $0xD0000000  }
0x3: {  	_ = 	snop  }
0x4: {  	_ = 	snop  }
0x5: {  	_ = 	snop  }
0x6: {  	_ = 	snop  }
0x7: {  	_ = 	snop  }
__scs_overlays_trampoline_lowered:
0x8: {  	[smem:$0x3FAA] =	sst s0  }
0x9: {  	[smem:$0x3FAB] =	sst s1  }
0xa: {  	[smem:$0x3FAC] =	sst s2  }
0xb: {  	[smem:$0x3FAD] =	sst s3  }
0xc: {  	[smem:$0x3FAE] =	sst s4  }
0xd: {  	[smem:$0x3FAF] =	sst s5  }
0xe: {  	[smem:$0x3FB0] =	sst s6  }
0xf: {  	[smem:$0x3FB1] =	sst s7  }
0x10: {  	[smem:$0x3FB2] =	sst s8  }
0x11: {  	[smem:$0x3FB3] =	sst s9;
	s0 =	simm.s32 @!p0 $0x0  }
0x12: {  	s1 =	sld [smem:$0x3F99];
	s0 =	simm.s32 @p0 $0x1  }
0x13: {  	[smem:$0x3FB4] =	sst s0;
	s0 =	simm.s32 @!p1 $0x0  }
0x14: {  	s2 =	sld [smem:$0x3F98];
	s0 =	simm.s32 @p1 $0x1  }
0x15: {  	[smem:$0x3FB5] =	sst s0;
	s0 =	simm.s32 @!p2 $0x0  }
0x16: {  	s3 =	sld [smem:$0x3FDB];
	s0 =	simm.s32 @p2 $0x1  }
0x17: {  	s4 =	simm.s32 $0x1BF5;
	[smem:$0x3FB7] =	sst s0  }
0x18: {  	s0 =	sld [smem:$0x3F9A];
	_ =	swait.ge [sflag:s4], $0x0  }
0x19: {  	s7 =	sld [smem:$0x3F9B]  }
0x1a: {  	s8 =	sadd.s32 $0xFFFFE003, lr  }
0x1b: {  	s9 =	sadd.s32 $0xFFFFFEF7, lr;
	s5 =	simm.s32 $0xFFFFFFFF;
	p2 =	slt.u32 s8, $0xFFFFF086  }
0x1c: {  	p1 =	slt.u32 s9, $0xF7A;
	s5 =	simm.s32 @!p2 $0x0  }
0x1d: {  	s5 =	simm.s32 @p1 $0x1;
	p0 =	seq.s32 s7, s2  }
0x1e: {  	s7 =	smul.u32 @!p0 $0xF7A, s2;
	p2 =	seq.s32 @!p0 s5, $0x0  }
0x1f: {  	s9 =	smul.u32 $0xF7A, s1;
	s8 =	simm.s32 @!p0 $0x1BF5;
	p2 =	por !p2, p0  }
0x20: {  	[sflag:s8] =	ssyncset.s32 @!p0 $0xFFFFF086;
	s6 =	sadd.s32 @!p0 s3, s7;
	s7 =	simm.s32 @!p0 $0x108  }
0x21: {  	s3 =	sadd.s32 s3, s9;
	s6 =	sadd.s32 @!p0 $0x88, s6;
	s7 =	simm.s32 @p2 $0x1082  }
0x22: {  	[simem:s7], [sflag:s8] =	dma.local @!p0 [hbm:s6], $0xF7A  }
0x23: {  	s9 =	sor.u32 $0xD0000000, s2;
	s6 =	simm.s32 $0x108;
	_ =	swait.ge @!p0 [sflag:s8], $0x0  }
0x24: {  	s3 =	sadd.s32 $0x88, s3;
	s6 =	simm.s32 @!p1 $0x1082;
	[sflag:s4] =	ssyncset.s32 $0xFFFFF086  }
0x25: {  	[simem:s6], [sflag:s4] =	dma.local [hbm:s3], $0xF7A  }
0x26: {  	[smem:$0x3F9B] =	sst s1;
	(tag) =	ssettag s2;
	_ =	strace s9  }
0x27: {  	s1 =	sld [smem:$0x3FAB]  }
0x28: {  	s2 =	sld [smem:$0x3FAC]  }
0x29: {  	s4 =	sld [smem:$0x3FAE]  }
0x2a: {  	p0 =	seq.s32 s5, $0x0;
	s5 =	sld [smem:$0x3FAF]  }
0x2b: {  	s6 =	sld [smem:$0x3FB0]  }
0x2c: {  	s7 =	sld [smem:$0x3FB1]  }
0x2d: {  	s3 =	simm.s32 $0x108;
	s8 =	sld [smem:$0x3FB2]  }
0x2e: {  	s3 =	simm.s32 @!p0 $0x1082;
	s9 =	sld [smem:$0x3FB3]  }
0x2f: {  	lr =	sadd.s32 s0, s3;
	s0 =	sld [smem:$0x3FAA]  }
0x30: {  	s3 =	sld [smem:$0x3FAD]  }
0x31: {  	[smem:$0x3FB6] =	sst s10  }
0x32: {  	s10 =	sld [smem:$0x3FB4];
	_ =	sdelay $0x3  }
0x33: {  	p0 =	seq.s32 s10, $0x1;
	s10 =	sld [smem:$0x3FB6];
	_ =	sdelay $0x3  }
0x34: {  	[smem:$0x3FB6] =	sst s10  }
0x35: {  	s10 =	sld [smem:$0x3FB5];
	_ =	sdelay $0x3  }
0x36: {  	p1 =	seq.s32 s10, $0x1;
	s10 =	sld [smem:$0x3FB6];
	_ =	sdelay $0x3  }
0x37: {  	[smem:$0x3FB6] =	sst s10  }
0x38: {  	s10 =	sld [smem:$0x3FB7]  }
0x39: {  	_ = 	snop;
	(pc) =	sbr.ind lr, $3  }
0x3a: {  	_ = 	snop  }
0x3b: {  	_ = 	snop  }
0x3c: {  	p2 =	seq.s32 s10, $0x1;
	s10 =	sld [smem:$0x3FB6]  }
0x3d: {  	_ =	shalt  }
0x3e: {  	_ =	shalt  }
0x3f: {  	_ =	shalt  }
0x40: {  	_ =	shalt  }
0x41: {  	_ =	shalt  }
0x42: {  	_ =	shalt  }
0x43: {  	_ =	shalt  }
0x44: {  	_ =	shalt  }
0x45: {  	_ =	shalt  }
0x46: {  	_ =	shalt  }
0x47: {  	_ =	shalt  }
0x48: {  	_ =	shalt  }
0x49: {  	_ =	shalt  }
0x4a: {  	_ =	shalt  }
0x4b: {  	_ =	shalt  }
0x4c: {  	_ =	shalt  }
0x4d: {  	_ =	shalt  }
0x4e: {  	_ =	shalt  }
0x4f: {  	_ =	shalt  }
0x50: {  	_ =	shalt  }
0x51: {  	_ =	shalt  }
0x52: {  	_ =	shalt  }
0x53: {  	_ =	shalt  }
0x54: {  	_ =	shalt  }
0x55: {  	_ =	shalt  }
0x56: {  	_ =	shalt  }
0x57: {  	_ =	shalt  }
0x58: {  	_ =	shalt  }
0x59: {  	_ =	shalt  }
0x5a: {  	_ =	shalt  }
0x5b: {  	_ =	shalt  }
0x5c: {  	_ =	shalt  }
0x5d: {  	_ =	shalt  }
0x5e: {  	_ =	shalt  }
0x5f: {  	_ =	shalt  }
0x60: {  	_ =	shalt  }
0x61: {  	_ =	shalt  }
0x62: {  	_ =	shalt  }
0x63: {  	_ =	shalt  }
0x64: {  	_ =	shalt  }
0x65: {  	_ =	shalt  }
0x66: {  	_ =	shalt  }
0x67: {  	_ =	shalt  }
0x68: {  	_ =	shalt  }
0x69: {  	_ =	shalt  }
0x6a: {  	_ =	shalt  }
0x6b: {  	_ =	shalt  }
0x6c: {  	_ =	shalt  }
0x6d: {  	_ =	shalt  }
0x6e: {  	_ =	shalt  }
0x6f: {  	_ =	shalt  }
0x70: {  	_ =	shalt  }
0x71: {  	_ =	shalt  }
0x72: {  	_ =	shalt  }
0x73: {  	_ =	shalt  }
0x74: {  	_ =	shalt  }
0x75: {  	_ =	shalt  }
0x76: {  	_ =	shalt  }
0x77: {  	_ =	shalt  }
0x78: {  	_ =	shalt  }
0x79: {  	_ =	shalt  }
0x7a: {  	_ =	shalt  }
0x7b: {  	_ =	shalt  }
0x7c: {  	_ =	shalt  }
0x7d: {  	_ =	shalt  }
0x7e: {  	_ =	shalt  }
0x7f: {  	_ =	shalt  }
0x80: {  	_ =	shalt  }
0x81: {  	_ =	shalt  }
0x82: {  	_ =	shalt  }
0x83: {  	_ =	shalt  }
0x84: {  	_ =	shalt  }
0x85: {  	_ =	shalt  }
0x86: {  	_ =	shalt  }
0x87: {  	_ =	shalt  }
.Lfunc_end0:
.L_simem_size_0:
called_computation_lowered:
.L_overlay_start_0:
0x88: {  	s2 =	sld [smem:$0x3FD9]  }
0x89: {  	s3 =	sld [smem:$0x3FFE];
	_ =	sdelay $0x1  }
0x8a: {  	s1 =	srdreg.scid  }
0x8b: {  	s0 =	sand.u32 $0x1, s1  }
0x8c: {  	s17 =	sshll.u32 s0, $0xA;
	s2 =	sadd.s32 s3, s2  }
0x8d: {  	s2 =	sadd.s32 s2, s17  }
0x8e: {  	[smem:$0x3FC2] =	sst s2  }
0x8f: {  	_ = 	snop  }
0x90: {  	s2 =	sld [smem:$0x3FD0];
	(tm) =	ssettm $0x1  }
0x91: {  	s18 =	sld [smem:$0x3FFB];
	_ =	sdelay $0x3  }
0x92: {  	_ =	strace s18  }
0x93: {  	s3 =	sld [smem:$0x3FFC];
	_ =	sdelay $0x3  }
0x94: {  	_ =	strace s3  }
0x95: {  	s3 =	sld [smem:$0x3FFD];
	_ =	sdelay $0x3  }
0x96: {  	_ =	strace s3  }
0x97: {  	_ =	strace $0x8FFFFFFF  }
0x98: {  	s19 =	sld [smem:$0x3FDB];
	_ =	sdelay $0x1  }
0x99: {  	s4 =	simm.s32 $_scs_section_size  }
0x9a: {  	s5 =	simm.s32 $_size__tile_overlayer_lowered;
	s6 =	simm.s32 $_tile_overlayer_lowered  }
0x9b: {  	s22 =	simm.s32 $0x1BFF;
	s21 =	sshll.u32 s6, $0x1;
	s3 =	sadd.s32 s4, s19  }
0x9c: {  	s7 =	simm.s32 $0x0;
	s20 =	sshll.u32 s5, $0x1;
	s5 =	sadd.s32 s21, s3  }
0x9d: {  	[timem:s7], [sflag:s22] =	dma.local [hbm:s5], s20  }
0x9e: {  	_ =	swait.ge [sflag:s22], s20  }
0x9f: {  	s4 =	ssub.s32 $0x0, s20;
	[sflag:s22] =	ssyncset.done $0x0  }
0xa0: {  	[sflag:s22] =	ssyncadd.s32 s4;
	_ =	sdelay $0x1  }
0xa1: {  	s23 =	simm.s32 $0x1B8B  }
0xa2: {  	_ =	swait.ge [sflag:s23], $0x1  }
0xa3: {  	[sflag:s23] =	ssyncset.done $0x0  }
0xa4: {  	s25 =	simm.s32 $0x1B8E;
	s24 =	sld [smem:$0x3FFE];
	[sflag:s23] =	ssyncadd.s32 $0xFFFFFFFF  }
0xa5: {  	s26 =	simm.s32 $execute0_lowered;
	[smem:$0x3FD2] =	sst s25  }
0xa6: {  	s5 =	sshll.u32 s26, $0x1;
	_ =	strace $0x80000046;
	[dreg:$0x1] =	wrdreg $0xFFFFFFFF  }
0xa7: {  	s28 =	simm.s32 $_size_execute0_lowered;
	s3 =	sadd.s32 s3, s5;
	[dreg:$0x0] =	wrdreg $0x0  }
0xa8: {  	s5 =	sshll.u32 s28, $0x1;
	[dreg:$0x2] =	wrdreg s3  }
0xa9: {  	[dreg:$0x3] =	wrdreg s5  }
0xaa: {  	[dreg:$0x4] =	wrdreg $0xC0  }
0xab: {  	_ =	task [dreg:s7], $0x5FFFF  }
0xac: {  	[dreg:$0x1] =	wrdreg $0xFFFFFFFF  }
0xad: {  	[dreg:$0x0] =	wrdreg $0x60  }
0xae: {  	[dreg:$0x2] =	wrdreg s24  }
0xaf: {  	[dreg:$0x3] =	wrdreg s2  }
0xb0: {  	[dreg:$0x4] =	wrdreg $0x9  }
0xb1: {  	_ =	task.clear_ibuf [dreg:s7], $0x5FFFF;
	_ =	strace $0x90000046  }
0xb2: {  	s29 =	simm.s32 $0x9;
	_ =	strace $0x80000048  }
0xb3: {  	_ =	swait.ge [sflag:s29], $0x1  }
0xb4: {  	[sflag:s29] =	ssyncadd.s32 $0xFFFFFFFF  }
0xb5: {  	_ =	strace $0x90000048  }
0xb6: {  	_ =	sfence  }
0xb7: {  	s30 =	sld [smem:$0x0];
	_ =	sdelay $0x2  }
0xb8: {  	s31 =	sshll.u32 s1, $0xD;
	s1 =	sshrl.u32 s1, $0x2  }
0xb9: {  	s3 =	sand.u32 $0x4000, s31;
	s1 =	sadd.s32 s1, s30  }
0xba: {  	s0 =	sor.u32 s3, s0;
	s1 =	sshll.u32 s1, $0x11  }
0xbb: {  	s0 =	sor.u32 s1, s0  }
0xbc: {  	s0 =	sadd.s32 $0x8F2B, s0  }
0xbd: {  	[sflag:s0] =	ssyncadd.remote.s32 $0x1  }
0xbe: {  	_ =	sfence.sel $0xFFFF  }
0xbf: {  	[dreg:$0x0] =	wrdreg $0xFFFFFFFF;
	(pc) =	sbr.abs _section_cstart, $3  }
0xc0: {  	[dreg:$0x1] =	wrdreg $0xFFFFFFFF  }
0xc1: {  	_ =	task.clear_ibuf [dreg:s7], $0x2FFFF;
	_ =	strace $0x9FFFFFFF  }
0xc2: {  	(tm) =	ssettm $0x7FFFFFFF  }
0xc3: {  	_ =	shalt  }
tec
execute0_lowered:
.L_overlay_start_1:
0x0: {  	(tag) =	ssettag $0x1  }
0x1: {  	s4 =	rddreg [dreg:$0x0]  }
0x2: {  	s0 =	srdreg.scid;
	s6 =	rddreg [dreg:$0x1]  }
0x3: {  	s1 =	stileid.u32;
	s2 =	simm.s32 $0x0;
	s3 =	sand.u32 $0x1, s0  }
0x4: {  	s11 =	simm.s32 $0xA000;
	s0 =	rddreg [dreg:$0x2];
	s5 =	sshll.u32 s3, $0x4  }
0x5: {  	s12 =	simm.s32 $0x0;
	[smem:$0x7FF] =	sst s2;
	s5 =	sor.u32 s1, s5  }
0x6: {  	s8 =	ssub.s32 $0x2, s3;
	_ =	strace $0x80000047;
	s7 =	smul.u32 $0xA00, s5  }
0x7: {  	s3 =	sadd.s32 $0x800, s4;
	s9 =	sshrl.u32 s8, $0x1;
	s10 =	smul.u32 $0x500, s5  }
0x8: {  	s31 =	ssub.s32 s8, s9;
	s8 =	simm.s32 $0x1;
	s9 =	simm.s32 $0x2800  }
0x9: {  	s30 =	sadd.s32 s7, s4;
	s4 =	sadd.s32 $0xD00, s4;
	s6 =	sadd.s32 s6, s10  }
0xa: {  	s7 =	smax.u32 s31, $0x1;
	s10 =	simm.s32 $0x5000;
	s5 =	sadd.s32 $0x1200, s30  }
.LBB2_1:
0xb: {  	[tilespmem:s2], [sflag:$0x1] =	stream.linear.gather [hbm4b:s3+s2], $0x2800, $0x38;
	[tilespmem:$0xC800] =	vst v63  }
0xc: {  	_ =	swait.ge [sflag:s8], $0x2800  }
0xd: {  	[sflag:s8] =	ssyncset.done $0x0  }
0xe: {  	[sflag:s8] =	ssyncadd.s32 $0xFFFFD800  }
0xf: {  	[tilespmem:s9], [sflag:$0x1] =	stream.linear.gather [hbm4b:s4+s2], $0x2800, $0x38;
	[tilespmem:$0xC800] =	vst v63  }
0x10: {  	_ =	swait.ge [sflag:s8], $0x2800  }
0x11: {  	[sflag:s8] =	ssyncset.done $0x0  }
0x12: {  	[sflag:s8] =	ssyncadd.s32 $0xFFFFD800  }
0x13: {  	[tilespmem:s10], [sflag:$0x1] =	stream.linear.gather [hbm4b:s5+s2], $0x5000, $0x38;
	[tilespmem:$0xC800] =	vst v63  }
0x14: {  	_ =	swait.ge [sflag:s8], $0x5000  }
0x15: {  	s13 =	simm.s32 $0x5080;
	[sflag:s8] =	ssyncset.done $0x0  }
0x16: {  	s14 =	simm.s32 $0xA000;
	s15 =	simm.s32 $0x0;
	[sflag:s8] =	ssyncadd.s32 $0xFFFFB000  }
.LBB2_2:
0x17: {  	v0 =	vld [tilespmem:s13+$0xFFFFFF80]  }
0x18: {  	v1 =	vld [tilespmem:s13+$0x0];
	_ =	sdelay $0x2  }
0x19: {  	s16 =	sadd.s32 $0x10, s13  }
0x1a: {  	v2 =	vld [tilespmem:s16+$0xFFFFFF80]  }
0x1b: {  	v3 =	vld [tilespmem:s16+$0x0];
	_ =	sdelay $0x1  }
0x1c: {  	v0 =	vld.idx.msk [tilespmem:v0+s2+$0x0], $0xffff  }
0x1d: {  	v1 =	vld.idx.msk [tilespmem:v1+s9+$0x0], $0xffff  }
0x1e: {  	s16 =	sadd.s32 $0x10, s16  }
0x1f: {  	v4 =	vld [tilespmem:s16+$0xFFFFFF80]  }
0x20: {  	v5 =	vld [tilespmem:s16+$0x0]  }
0x21: {  	v2 =	vld.idx.msk [tilespmem:v2+s2+$0x0], $0xffff  }
0x22: {  	v3 =	vld.idx.msk [tilespmem:v3+s9+$0x0], $0xffff;
	v0 =	vadd.f32 v1, v0;
	_ =	sdelay $0x1  }
0x23: {  	v0 =	vsub.f32 $0.0e+00, v0;
	_ =	sdelay $0x1  }
0x24: {  	v0 =	vmul.f32 $1.442695020e+00, v0  }
0x25: {  	v1 =	vadd.f32 v3, v2  }
0x26: {  	v2 =	vld.idx.msk [tilespmem:v5+s9+$0x0], $0xffff;
	(erf) = vpow2.f32 v0  }
0x27: {  	v0 =	vsub.f32 $0.0e+00, v1;
	v1 =	vld.idx.msk [tilespmem:v4+s2+$0x0], $0xffff  }
0x28: {  	s16 =	sadd.s32 $0x10, s16  }
0x29: {  	v3 =	vld [tilespmem:s16+$0xFFFFFF80];
	v0 =	vmul.f32 $1.442695020e+00, v0  }
0x2a: {  	v4 =	vld [tilespmem:s16+$0x0]  }
0x2b: {  	(erf) = vpow2.f32 v0  }
0x2c: {  	s16 =	sadd.s32 $0x10, s16;
	v1 =	vadd.f32 v2, v1  }
0x2d: {  	v0 =	vld [tilespmem:s16+$0xFFFFFF80]  }
0x2e: {  	v5 =	vld [tilespmem:s16+$0x0];
	v1 =	vsub.f32 $0.0e+00, v1  }
0x2f: {  	v2 =	vpop (erf)  }
0x30: {  	v1 =	vmul.f32 $1.442695020e+00, v1;
	v2 =	vadd.f32 $1.000000000e+00, v2  }
0x31: {  	v3 =	vld.idx.msk [tilespmem:v3+s2+$0x0], $0xffff  }
0x32: {  	v4 =	vld.idx.msk [tilespmem:v4+s9+$0x0], $0xffff;
	(erf) = vrcp.f32 v2;
	_ =	sdelay $0x1  }
0x33: {  	(erf) = vpow2.f32 v1;
	v1 =	vpop (erf)  }
0x34: {  	v0 =	vld.idx.msk [tilespmem:v0+s2+$0x0], $0xffff;
	v1 =	vadd.f32 $1.000000000e+00, v1  }
0x35: {  	v2 =	vld.idx.msk [tilespmem:v5+s9+$0x0], $0xffff  }
0x36: {  	s16 =	sadd.s32 $0x10, s16;
	(erf) = vrcp.f32 v1;
	v1 =	vadd.f32 v4, v3  }
0x37: {  	v5 =	vld [tilespmem:s16+$0xFFFFFF80]  }
0x38: {  	v1 =	vsub.f32 $0.0e+00, v1;
	_ =	sdelay $0x1  }
0x39: {  	v3 =	vld [tilespmem:s16+$0x0];
	v0 =	vadd.f32 v2, v0;
	v1 =	vmul.f32 $1.442695020e+00, v1;
	v2 =	vpop (erf)  }
0x3a: {  	v2 =	vmul.f32 $1.442695020e+00, v2  }
0x3b: {  	(erf) = vpow2.f32 v1  }
0x3c: {  	v0 =	vsub.f32 $0.0e+00, v0;
	(erf) = vpow2.f32 v2  }
0x3d: {  	v4 =	vpop (erf)  }
0x3e: {  	s16 =	sadd.s32 $0x10, s16;
	v6 =	vmul.f32 $1.442695020e+00, v0;
	v0 =	vld.idx.msk [tilespmem:v5+s2+$0x0], $0xffff;
	v4 =	vadd.f32 $1.000000000e+00, v4  }
0x3f: {  	v1 =	vld [tilespmem:s16+$0xFFFFFF80]  }
0x40: {  	v2 =	vld [tilespmem:s16+$0x0];
	(erf) = vrcp.f32 v4  }
0x41: {  	v3 =	vld.idx.msk [tilespmem:v3+s9+$0x0], $0xffff  }
0x42: {  	s18 =	simm.s32 $0x60;
	v4 =	vpop (erf)  }
0x43: {  	s17 =	smov.u32 s14;
	s19 =	sadd.s32 $0x10, s16;
	s16 =	smov.u32 s14;
	(erf) = vpow2.f32 v6;
	v4 =	vmul.f32 $1.442695020e+00, v4  }
.LBB2_3:
0x44: {  	_ = 	snop  }
0x45: {  	v5 =	vld [tilespmem:s19+$0xFFFFFF80];
	s18 =	sadd.s32 $0x10, s18;
	v6 =	vpop (erf);
	s16 =	sadd.s32 $0x10, s16;
	(erf) = vpow2.f32 v4  }
0x46: {  	p0 =	slt.u32 s18, $0x70;
	v4 =	vadd.f32 v3, v0;
	v6 =	vadd.f32 $1.000000000e+00, v6;
	v7 =	vld [tilespmem:s19+$0x0];
	v3 =	vpop (erf)  }
0x47: {  	v0 =	vld.idx.msk [tilespmem:v1+s2+$0x0], $0xffff;
	[tilespmem:s17+$0x0] =	vst v3;
	s17 =	smov.u32 s16  }
.Ltmp0:
0x48: {  	v8 =	vsub.f32 $0.0e+00, v4;
	v3 =	vld.idx.msk [tilespmem:v2+s9+$0x0], $0xffff;
	(erf) = vrcp.f32 v6;
	(pc) =	sbr.rel @p0 .LBB2_3-.Ltmp0, $4  }
0x49: {  	v2 =	vpop (erf)  }
0x4a: {  	v6 =	vmul.f32 $1.442695020e+00, v8;
	v1 =	vmov v5;
	v4 =	vmul.f32 $1.442695020e+00, v2  }
0x4b: {  	v2 =	vmov v7  }
0x4c: {  	s19 =	sadd.s32 $0x10, s19;
	(erf) = vpow2.f32 v6  }
0x4d: {  	_ =	sdelay $0x3  }
0x4e: {  	v1 =	vld.idx.msk [tilespmem:v1+s2+$0x0], $0xffff  }
0x4f: {  	v2 =	vld.idx.msk [tilespmem:v2+s9+$0x0], $0xffff;
	_ =	sdelay $0x1  }
0x50: {  	v0 =	vadd.f32 v3, v0;
	_ =	sdelay $0x1  }
0x51: {  	v47 =	vpop (erf);
	v0 =	vsub.f32 $0.0e+00, v0  }
0x52: {  	v3 =	vadd.f32 $1.000000000e+00, v47;
	v5 =	vpop (erf);
	v1 =	vadd.f32 v2, v1  }
0x53: {  	(erf) = vpow2.f32 v4;
	v48 =	vpop (erf);
	v0 =	vmul.f32 $1.442695020e+00, v0  }
0x54: {  	(erf) = vrcp.f32 v3;
	v2 =	vmul.f32 $1.442695020e+00, v48;
	v1 =	vsub.f32 $0.0e+00, v1;
	v49 =	vpop (erf)  }
0x55: {  	(erf) = vpow2.f32 v0;
	v50 =	vadd.f32 $1.000000000e+00, v49  }
0x56: {  	(erf) = vpow2.f32 v2;
	v1 =	vmul.f32 $1.442695020e+00, v1  }
0x57: {  	(erf) = vrcp.f32 v50  }
0x58: {  	(erf) = vpow2.f32 v1;
	_ =	sdelay $0x3  }
0x59: {  	v51 =	vpop (erf)  }
0x5a: {  	v52 =	vpop (erf)  }
0x5b: {  	v53 =	vpop (erf)  }
0x5c: {  	v1 =	vmul.f32 $1.442695020e+00, v52;
	v54 =	vpop (erf)  }
0x5d: {  	v2 =	vadd.f32 $1.000000000e+00, v53;
	v55 =	vpop (erf)  }
0x5e: {  	(erf) = vpow2.f32 v1;
	v56 =	vmul.f32 $1.442695020e+00, v55;
	v57 =	vpop (erf)  }
0x5f: {  	(erf) = vrcp.f32 v2;
	v58 =	vadd.f32 $1.000000000e+00, v57  }
0x60: {  	(erf) = vpow2.f32 v56  }
0x61: {  	(erf) = vrcp.f32 v58;
	_ =	sdelay $0x5  }
0x62: {  	v59 =	vpop (erf)  }
0x63: {  	v60 =	vpop (erf)  }
0x64: {  	v61 =	vpop (erf)  }
0x65: {  	v2 =	vmul.f32 $1.442695020e+00, v60;
	v6 =	vpop (erf)  }
0x66: {  	v6 =	vmul.f32 $1.442695020e+00, v6  }
0x67: {  	(erf) = vpow2.f32 v2  }
0x68: {  	(erf) = vpow2.f32 v6;
	_ =	sdelay $0x3  }
0x69: {  	s16 =	sadd.s32 $0x10, s16;
	s15 =	sadd.s32 $0x1, s15;
	[tilespmem:s17+$0x0] =	vst v5  }
0x6a: {  	s26 =	sadd.s32 $0x10, s16;
	p0 =	sne.s32 s15, $0x50;
	[tilespmem:s16+$0x0] =	vst v51  }
.Ltmp1:
0x6b: {  	s28 =	sadd.s32 $0x10, s26;
	[tilespmem:s26+$0x0] =	vst v54;
	(pc) =	sbr.rel @p0 .LBB2_2-.Ltmp1, $4  }
0x6c: {  	s29 =	sadd.s32 $0x10, s28;
	[tilespmem:s28+$0x0] =	vst v59  }
0x6d: {  	s30 =	sadd.s32 $0x10, s29;
	[tilespmem:s29+$0x0] =	vst v61;
	v62 =	vpop (erf)  }
0x6e: {  	s31 =	sadd.s32 $0x10, s30;
	[tilespmem:s30+$0x0] =	vst v62;
	v63 =	vpop (erf)  }
0x6f: {  	s14 =	sadd.s32 $0x80, s14;
	s13 =	sadd.s32 $0x100, s13;
	[tilespmem:s31+$0x0] =	vst v63  }
0x70: {  	s12 =	sadd.s32 $0x1, s12  }
0x71: {  	p0 =	sne.s32 s12, s7  }
.Ltmp2:
0x72: {  	_ = 	snop;
	(pc) =	sbr.rel @p0 .LBB2_1-.Ltmp2, $4  }
0x73: {  	[hbm4b:s6+s2] =	stream.linear.scatter [tilespmem:s11], [sflag:$0x1], $0x2800, $0x38;
	[tilespmem:$0xC800] =	vst v63  }
0x74: {  	_ =	swait.ge [sflag:s8], $0x2800  }
0x75: {  	[sflag:s8] =	ssyncset.done $0x0  }
0x76: {  	[sflag:s8] =	ssyncadd.s32 $0xFFFFD800  }
0x77: {  	_ =	sfence.sel $0x180000  }
0x78: {  	[bflag:$0x0] =	sbarrier.arrive $0xFFFF  }
0x79: {  	p0 =	sne.s32 s1, $0x0;
	_ =	strace $0x90000047  }
0x7a: {  	s0 =	sadd.s32 @!p0 $0x100000, s0;
	[bflag:$0x2] =	sbarrier.arrive $0xFFFF  }
0x7b: {  	[sflag:s0] =	ssyncadd.tile.s32 @!p0 $0x1;
	_ =	shalt  }
.Lfunc_end2:
_tile_overlayer_lowered:
.L_overlay_start_2:
0x7c: {  	(tag) =	ssettag $0x2  }
0x7d: {  	s0 =	rddreg [dreg:$0x0];
	s2 =	stileid.u32  }
0x7e: {  	s1 =	rddreg [dreg:$0x1];
	p0 =	sne.s32 s2, $0x0  }
0x7f: {  	s3 =	rddreg [dreg:$0x2];
	[bflag:$0x3] =	sbarrier.arrive $0xFFFF;
	s2 =	simm.s32 @!p0 $0x1C01  }
0x80: {  	[timem:s3], [sflag:s2] =	dma.local @!p0 [hbm:s0], s1  }
0x81: {  	s0 =	simm.s32 @!p0 $0x1  }
0x82: {  	_ =	swait.ge @!p0 [sflag:s0], s1  }
0x83: {  	s1 =	ssub.s32 @!p0 $0x0, s1;
	[sflag:s0] =	ssyncset.done @!p0 $0x0  }
0x84: {  	[sflag:s0] =	ssyncadd.s32 @!p0 s1  }
0x85: {  	[bflag:$0x3] =	sbarrier.arrive $0xFFFF  }
0x86: {  	_ =	shalt  }

// kernel: kernel.9.cloned.1.call-start
scs
__scs_entry_jumppad:
0x0: {  	(pc) =	sbr.rel $0x88, $3  }
0x1: {  	(tag) =	ssettag $0x0;
	lr =	simm.s32 $0x1  }
0x2: {  	[smem:$0x3F9B] =	sst lr;
	_ =	strace $0xD0000000  }
0x3: {  	_ = 	snop  }
0x4: {  	_ = 	snop  }
0x5: {  	_ = 	snop  }
0x6: {  	_ = 	snop  }
0x7: {  	_ = 	snop  }
__scs_overlays_trampoline_lowered:
0x8: {  	[smem:$0x3FAA] =	sst s0  }
0x9: {  	[smem:$0x3FAB] =	sst s1  }
0xa: {  	[smem:$0x3FAC] =	sst s2  }
0xb: {  	[smem:$0x3FAD] =	sst s3  }
0xc: {  	[smem:$0x3FAE] =	sst s4  }
0xd: {  	[smem:$0x3FAF] =	sst s5  }
0xe: {  	[smem:$0x3FB0] =	sst s6  }
0xf: {  	[smem:$0x3FB1] =	sst s7  }
0x10: {  	[smem:$0x3FB2] =	sst s8  }
0x11: {  	[smem:$0x3FB3] =	sst s9;
	s0 =	simm.s32 @!p0 $0x0  }
0x12: {  	s1 =	sld [smem:$0x3F99];
	s0 =	simm.s32 @p0 $0x1  }
0x13: {  	[smem:$0x3FB4] =	sst s0;
	s0 =	simm.s32 @!p1 $0x0  }
0x14: {  	s2 =	sld [smem:$0x3F98];
	s0 =	simm.s32 @p1 $0x1  }
0x15: {  	[smem:$0x3FB5] =	sst s0;
	s0 =	simm.s32 @!p2 $0x0  }
0x16: {  	s3 =	sld [smem:$0x3FDB];
	s0 =	simm.s32 @p2 $0x1  }
0x17: {  	s4 =	simm.s32 $0x1BF5;
	[smem:$0x3FB7] =	sst s0  }
0x18: {  	s0 =	sld [smem:$0x3F9A];
	_ =	swait.ge [sflag:s4], $0x0  }
0x19: {  	s7 =	sld [smem:$0x3F9B]  }
0x1a: {  	s8 =	sadd.s32 $0xFFFFE003, lr  }
0x1b: {  	s9 =	sadd.s32 $0xFFFFFEF7, lr;
	s5 =	simm.s32 $0xFFFFFFFF;
	p2 =	slt.u32 s8, $0xFFFFF086  }
0x1c: {  	p1 =	slt.u32 s9, $0xF7A;
	s5 =	simm.s32 @!p2 $0x0  }
0x1d: {  	s5 =	simm.s32 @p1 $0x1;
	p0 =	seq.s32 s7, s2  }
0x1e: {  	s7 =	smul.u32 @!p0 $0xF7A, s2;
	p2 =	seq.s32 @!p0 s5, $0x0  }
0x1f: {  	s9 =	smul.u32 $0xF7A, s1;
	s8 =	simm.s32 @!p0 $0x1BF5;
	p2 =	por !p2, p0  }
0x20: {  	[sflag:s8] =	ssyncset.s32 @!p0 $0xFFFFF086;
	s6 =	sadd.s32 @!p0 s3, s7;
	s7 =	simm.s32 @!p0 $0x108  }
0x21: {  	s3 =	sadd.s32 s3, s9;
	s6 =	sadd.s32 @!p0 $0x88, s6;
	s7 =	simm.s32 @p2 $0x1082  }
0x22: {  	[simem:s7], [sflag:s8] =	dma.local @!p0 [hbm:s6], $0xF7A  }
0x23: {  	s9 =	sor.u32 $0xD0000000, s2;
	s6 =	simm.s32 $0x108;
	_ =	swait.ge @!p0 [sflag:s8], $0x0  }
0x24: {  	s3 =	sadd.s32 $0x88, s3;
	s6 =	simm.s32 @!p1 $0x1082;
	[sflag:s4] =	ssyncset.s32 $0xFFFFF086  }
0x25: {  	[simem:s6], [sflag:s4] =	dma.local [hbm:s3], $0xF7A  }
0x26: {  	[smem:$0x3F9B] =	sst s1;
	(tag) =	ssettag s2;
	_ =	strace s9  }
0x27: {  	s1 =	sld [smem:$0x3FAB]  }
0x28: {  	s2 =	sld [smem:$0x3FAC]  }
0x29: {  	s4 =	sld [smem:$0x3FAE]  }
0x2a: {  	p0 =	seq.s32 s5, $0x0;
	s5 =	sld [smem:$0x3FAF]  }
0x2b: {  	s6 =	sld [smem:$0x3FB0]  }
0x2c: {  	s7 =	sld [smem:$0x3FB1]  }
0x2d: {  	s3 =	simm.s32 $0x108;
	s8 =	sld [smem:$0x3FB2]  }
0x2e: {  	s3 =	simm.s32 @!p0 $0x1082;
	s9 =	sld [smem:$0x3FB3]  }
0x2f: {  	lr =	sadd.s32 s0, s3;
	s0 =	sld [smem:$0x3FAA]  }
0x30: {  	s3 =	sld [smem:$0x3FAD]  }
0x31: {  	[smem:$0x3FB6] =	sst s10  }
0x32: {  	s10 =	sld [smem:$0x3FB4];
	_ =	sdelay $0x3  }
0x33: {  	p0 =	seq.s32 s10, $0x1;
	s10 =	sld [smem:$0x3FB6];
	_ =	sdelay $0x3  }
0x34: {  	[smem:$0x3FB6] =	sst s10  }
0x35: {  	s10 =	sld [smem:$0x3FB5];
	_ =	sdelay $0x3  }
0x36: {  	p1 =	seq.s32 s10, $0x1;
	s10 =	sld [smem:$0x3FB6];
	_ =	sdelay $0x3  }
0x37: {  	[smem:$0x3FB6] =	sst s10  }
0x38: {  	s10 =	sld [smem:$0x3FB7]  }
0x39: {  	_ = 	snop;
	(pc) =	sbr.ind lr, $3  }
0x3a: {  	_ = 	snop  }
0x3b: {  	_ = 	snop  }
0x3c: {  	p2 =	seq.s32 s10, $0x1;
	s10 =	sld [smem:$0x3FB6]  }
0x3d: {  	_ =	shalt  }
0x3e: {  	_ =	shalt  }
0x3f: {  	_ =	shalt  }
0x40: {  	_ =	shalt  }
0x41: {  	_ =	shalt  }
0x42: {  	_ =	shalt  }
0x43: {  	_ =	shalt  }
0x44: {  	_ =	shalt  }
0x45: {  	_ =	shalt  }
0x46: {  	_ =	shalt  }
0x47: {  	_ =	shalt  }
0x48: {  	_ =	shalt  }
0x49: {  	_ =	shalt  }
0x4a: {  	_ =	shalt  }
0x4b: {  	_ =	shalt  }
0x4c: {  	_ =	shalt  }
0x4d: {  	_ =	shalt  }
0x4e: {  	_ =	shalt  }
0x4f: {  	_ =	shalt  }
0x50: {  	_ =	shalt  }
0x51: {  	_ =	shalt  }
0x52: {  	_ =	shalt  }
0x53: {  	_ =	shalt  }
0x54: {  	_ =	shalt  }
0x55: {  	_ =	shalt  }
0x56: {  	_ =	shalt  }
0x57: {  	_ =	shalt  }
0x58: {  	_ =	shalt  }
0x59: {  	_ =	shalt  }
0x5a: {  	_ =	shalt  }
0x5b: {  	_ =	shalt  }
0x5c: {  	_ =	shalt  }
0x5d: {  	_ =	shalt  }
0x5e: {  	_ =	shalt  }
0x5f: {  	_ =	shalt  }
0x60: {  	_ =	shalt  }
0x61: {  	_ =	shalt  }
0x62: {  	_ =	shalt  }
0x63: {  	_ =	shalt  }
0x64: {  	_ =	shalt  }
0x65: {  	_ =	shalt  }
0x66: {  	_ =	shalt  }
0x67: {  	_ =	shalt  }
0x68: {  	_ =	shalt  }
0x69: {  	_ =	shalt  }
0x6a: {  	_ =	shalt  }
0x6b: {  	_ =	shalt  }
0x6c: {  	_ =	shalt  }
0x6d: {  	_ =	shalt  }
0x6e: {  	_ =	shalt  }
0x6f: {  	_ =	shalt  }
0x70: {  	_ =	shalt  }
0x71: {  	_ =	shalt  }
0x72: {  	_ =	shalt  }
0x73: {  	_ =	shalt  }
0x74: {  	_ =	shalt  }
0x75: {  	_ =	shalt  }
0x76: {  	_ =	shalt  }
0x77: {  	_ =	shalt  }
0x78: {  	_ =	shalt  }
0x79: {  	_ =	shalt  }
0x7a: {  	_ =	shalt  }
0x7b: {  	_ =	shalt  }
0x7c: {  	_ =	shalt  }
0x7d: {  	_ =	shalt  }
0x7e: {  	_ =	shalt  }
0x7f: {  	_ =	shalt  }
0x80: {  	_ =	shalt  }
0x81: {  	_ =	shalt  }
0x82: {  	_ =	shalt  }
0x83: {  	_ =	shalt  }
0x84: {  	_ =	shalt  }
0x85: {  	_ =	shalt  }
0x86: {  	_ =	shalt  }
0x87: {  	_ =	shalt  }
.Lfunc_end0:
.L_simem_size_0:
called_computation.1_lowered:
.L_overlay_start_0:
0x88: {  	s2 =	sld [smem:$0x3FD9]  }
0x89: {  	s3 =	sld [smem:$0x3FFE];
	_ =	sdelay $0x1  }
0x8a: {  	s1 =	srdreg.scid  }
0x8b: {  	s0 =	sand.u32 $0x1, s1  }
0x8c: {  	s17 =	sshll.u32 s0, $0xA;
	s2 =	sadd.s32 s3, s2  }
0x8d: {  	s2 =	sadd.s32 s2, s17  }
0x8e: {  	[smem:$0x3FC2] =	sst s2  }
0x8f: {  	_ = 	snop  }
0x90: {  	s2 =	sld [smem:$0x3FD0];
	(tm) =	ssettm $0x1  }
0x91: {  	s18 =	sld [smem:$0x3FFB];
	_ =	sdelay $0x3  }
0x92: {  	_ =	strace s18  }
0x93: {  	s3 =	sld [smem:$0x3FFC];
	_ =	sdelay $0x3  }
0x94: {  	_ =	strace s3  }
0x95: {  	s3 =	sld [smem:$0x3FFD];
	_ =	sdelay $0x3  }
0x96: {  	_ =	strace s3  }
0x97: {  	_ =	strace $0x8FFFFFFF  }
0x98: {  	s19 =	sld [smem:$0x3FDB];
	_ =	sdelay $0x1  }
0x99: {  	s4 =	simm.s32 $_scs_section_size  }
0x9a: {  	s5 =	simm.s32 $_size__tile_overlayer_lowered;
	s6 =	simm.s32 $_tile_overlayer_lowered  }
0x9b: {  	s22 =	simm.s32 $0x1BFF;
	s21 =	sshll.u32 s6, $0x1;
	s3 =	sadd.s32 s4, s19  }
0x9c: {  	s7 =	simm.s32 $0x0;
	s20 =	sshll.u32 s5, $0x1;
	s5 =	sadd.s32 s21, s3  }
0x9d: {  	[timem:s7], [sflag:s22] =	dma.local [hbm:s5], s20  }
0x9e: {  	_ =	swait.ge [sflag:s22], s20  }
0x9f: {  	s4 =	ssub.s32 $0x0, s20;
	[sflag:s22] =	ssyncset.done $0x0  }
0xa0: {  	[sflag:s22] =	ssyncadd.s32 s4;
	_ =	sdelay $0x1  }
0xa1: {  	s23 =	simm.s32 $0x1B8B  }
0xa2: {  	_ =	swait.ge [sflag:s23], $0x1  }
0xa3: {  	[sflag:s23] =	ssyncset.done $0x0  }
0xa4: {  	s25 =	simm.s32 $0x1B8E;
	s24 =	sld [smem:$0x3FFE];
	[sflag:s23] =	ssyncadd.s32 $0xFFFFFFFF  }
0xa5: {  	s26 =	simm.s32 $execute0_lowered;
	[smem:$0x3FD2] =	sst s25  }
0xa6: {  	s5 =	sshll.u32 s26, $0x1;
	_ =	strace $0x80000049;
	[dreg:$0x1] =	wrdreg $0xFFFFFFFF  }
0xa7: {  	s28 =	simm.s32 $_size_execute0_lowered;
	s3 =	sadd.s32 s3, s5;
	[dreg:$0x0] =	wrdreg $0x0  }
0xa8: {  	s5 =	sshll.u32 s28, $0x1;
	[dreg:$0x2] =	wrdreg s3  }
0xa9: {  	[dreg:$0x3] =	wrdreg s5  }
0xaa: {  	[dreg:$0x4] =	wrdreg $0xC0  }
0xab: {  	_ =	task [dreg:s7], $0x5FFFF  }
0xac: {  	[dreg:$0x1] =	wrdreg $0xFFFFFFFF  }
0xad: {  	[dreg:$0x0] =	wrdreg $0x60  }
0xae: {  	[dreg:$0x2] =	wrdreg s24  }
0xaf: {  	[dreg:$0x3] =	wrdreg s2  }
0xb0: {  	[dreg:$0x4] =	wrdreg $0x54000  }
0xb1: {  	[dreg:$0x5] =	wrdreg $0x11C000  }
0xb2: {  	[dreg:$0x6] =	wrdreg $0x9  }
0xb3: {  	_ =	task.clear_ibuf [dreg:s7], $0x7FFFF;
	_ =	strace $0x90000049  }
0xb4: {  	s29 =	simm.s32 $0x9;
	_ =	strace $0x8000004B  }
0xb5: {  	_ =	swait.ge [sflag:s29], $0x1  }
0xb6: {  	[sflag:s29] =	ssyncadd.s32 $0xFFFFFFFF  }
0xb7: {  	_ =	strace $0x9000004B  }
0xb8: {  	_ =	sfence  }
0xb9: {  	s30 =	sld [smem:$0x0];
	_ =	sdelay $0x2  }
0xba: {  	s31 =	sshll.u32 s1, $0xD;
	s1 =	sshrl.u32 s1, $0x2  }
0xbb: {  	s3 =	sand.u32 $0x4000, s31;
	s1 =	sadd.s32 s1, s30  }
0xbc: {  	s0 =	sor.u32 s3, s0;
	s1 =	sshll.u32 s1, $0x11  }
0xbd: {  	s0 =	sor.u32 s1, s0  }
0xbe: {  	s0 =	sadd.s32 $0x8F2B, s0  }
0xbf: {  	[sflag:s0] =	ssyncadd.remote.s32 $0x1  }
0xc0: {  	_ =	sfence.sel $0xFFFF  }
0xc1: {  	[dreg:$0x0] =	wrdreg $0xFFFFFFFF;
	(pc) =	sbr.abs _section_cstart, $3  }
0xc2: {  	[dreg:$0x1] =	wrdreg $0xFFFFFFFF  }
0xc3: {  	_ =	task.clear_ibuf [dreg:s7], $0x2FFFF;
	_ =	strace $0x9FFFFFFF  }
0xc4: {  	(tm) =	ssettm $0x7FFFFFFF  }
0xc5: {  	_ =	shalt  }
tec
execute0_lowered:
.L_overlay_start_1:
0x0: {  	(tag) =	ssettag $0x1  }
0x1: {  	s0 =	rddreg [dreg:$0x0]  }
0x2: {  	s2 =	rddreg [dreg:$0x1]  }
0x3: {  	s3 =	rddreg [dreg:$0x2]  }
0x4: {  	s4 =	rddreg [dreg:$0x3]  }
0x5: {  	s13 =	stileid.u32;
	s6 =	srdreg.scid;
	s5 =	simm.s32 $0x0  }
0x6: {  	s28 =	simm.s32 $0x2B00;
	s29 =	simm.s32 $0x80;
	s30 =	simm.s32 $0x300  }
0x7: {  	s31 =	simm.s32 $0x1;
	s1 =	smul.u32 $0xC800, s13;
	s7 =	sand.u32 $0x1, s6  }
0x8: {  	[smem:$0x7FF] =	sst s5;
	s6 =	sadd.s32 $0x1200, s0;
	s18 =	sshll.u32 s13, $0x6  }
0x9: {  	s8 =	smul.u32 $0xC8000, s7;
	_ =	strace $0x8000004A;
	s10 =	ssub.s32 $0x2, s7  }
0xa: {  	s7 =	sshll.u32 s7, $0x4;
	s15 =	sshrl.u32 s1, $0x3;
	s11 =	sshrl.u32 s10, $0x1  }
0xb: {  	s12 =	sor.u32 s13, s7;
	s17 =	sadd.s32 s1, s3;
	s13 =	smul.u32 $0x32000, s13  }
0xc: {  	s9 =	sadd.s32 s15, s0;
	s8 =	sadd.s32 s1, s8;
	s16 =	ssub.s32 s10, s11  }
0xd: {  	s7 =	smul.u32 $0x5000, s12;
	s10 =	sor.u32 $0x1C07, s18;
	s15 =	sadd.s32 s1, s4  }
0xe: {  	s26 =	sshrl.u32 s17, $0x3;
	s8 =	sshrl.u32 s8, $0x3;
	s9 =	sadd.s32 $0x15200, s9  }
0xf: {  	s13 =	sshrl.u32 s13, $0x2;
	s25 =	smax.u32 s16, $0x1;
	[dreg:$0x10] =	wrdreg s26  }
0x10: {  	s26 =	simm.s32 $0x280;
	s16 =	simm.s32 $0x0;
	s0 =	sadd.s32 s8, s0  }
0x11: {  	[dreg:$0x5] =	wrdreg s9;
	s9 =	smul.u32 $0x2800, s12;
	s19 =	sshrl.u32 s7, $0x3  }
0x12: {  	s21 =	sadd.s32 s13, s4;
	[dreg:$0xf] =	wrdreg s25;
	s14 =	sadd.s32 s6, s19  }
0x13: {  	s25 =	simm.s32 $0x100;
	s22 =	sadd.s32 $0x2800, s21;
	[dreg:$0x6] =	wrdreg s14  }
0x14: {  	s8 =	simm.s32 $0x5380;
	s23 =	sadd.s32 $0x5000, s21;
	[dreg:$0xa] =	wrdreg s22  }
0x15: {  	s13 =	simm.s32 $0x5;
	s24 =	sadd.s32 $0x7800, s21;
	[dreg:$0xb] =	wrdreg s23  }
0x16: {  	s1 =	sadd.s32 $0xA000, s21;
	s0 =	sadd.s32 $0x2E200, s0;
	[dreg:$0xc] =	wrdreg s24  }
.Ltmp0:
0x17: {  	s20 =	sshrl.u32 s9, $0x3;
	[dreg:$0xd] =	wrdreg s1;
	(pc) =	sbr.rel .LBB2_1-.Ltmp0, $4  }
0x18: {  	s14 =	sadd.s32 $0x20, s14;
	[dreg:$0xe] =	wrdreg s0;
	s23 =	simm.s32 $0x7  }
0x19: {  	s24 =	simm.s32 $0x200;
	s12 =	sadd.s32 s2, s20;
	[dreg:$0x8] =	wrdreg s14  }
0x1a: {  	s1 =	simm.s32 $0x4;
	[dreg:$0x7] =	wrdreg s12;
	s12 =	sadd.s32 $0x10, s12  }
0x1b: {  	v0 =	vimm.f32 $0.0e+00;
	s0 =	simm.s32 $0x5300;
	s14 =	simm.s32 $0x6;
	[dreg:$0x9] =	wrdreg s12  }
.LBB2_10:
0x1c: {  	_ =	swait.ge [sflag:s13], $0x2800  }
0x1d: {  	[sflag:s13] =	ssyncset.done $0x0  }
0x1e: {  	[sflag:s13] =	ssyncadd.s32 $0xFFFFD800  }
0x1f: {  	_ =	swait.ge [sflag:s14], $0x2800  }
0x20: {  	[sflag:s14] =	ssyncset.done $0x0  }
0x21: {  	[sflag:s14] =	ssyncadd.s32 $0xFFFFD800  }
0x22: {  	[bflag:$0x0] =	sbarrier.arrive $0xFFFF  }
0x23: {  	s11 =	sshrl.u32 s15, $0x3;
	s12 =	rddreg [dreg:$0xe]  }
0x24: {  	[hbm:s12], [sflag:s10] =	dma.local [spmem:s11], $0x1900  }
0x25: {  	_ =	swait.ge [sflag:s23], $0x1900  }
0x26: {  	s16 =	sadd.s32 $0x1, s16;
	s22 =	rddreg [dreg:$0xf]  }
0x27: {  	p0 =	sne.s32 s16, s22  }
.Ltmp1:
0x28: {  	_ = 	snop;
	(pc) =	sbr.rel @!p0 .LBB2_11-.Ltmp1, $3  }
0x29: {  	_ =	sdelay $0x1  }
0x2a: {  	[sflag:s23] =	ssyncset.done $0x0  }
0x2b: {  	[sflag:s23] =	ssyncadd.s32 $0xFFFFE700  }
.LBB2_1:
0x2c: {  	s11 =	rddreg [dreg:$0x5]  }
0x2d: {  	s12 =	rddreg [dreg:$0x10]  }
0x2e: {  	[spmem:s12], [sflag:s10] =	dma.local [hbm:s11], $0x1900  }
0x2f: {  	_ =	swait.ge [sflag:s23], $0x1900  }
0x30: {  	[sflag:s23] =	ssyncset.done $0x0  }
0x31: {  	s19 =	rddreg [dreg:$0x6];
	[sflag:s23] =	ssyncadd.s32 $0xFFFFE700  }
0x32: {  	[tilespmem:s5], [sflag:$0x7] =	stream.linear.gather [hbm4b:s19+s5], $0x100, $0x38;
	[tilespmem:$0x1E400] =	vst v63  }
0x33: {  	_ =	swait.ge [sflag:s23], $0x100  }
0x34: {  	[sflag:s23] =	ssyncset.done $0x0  }
0x35: {  	s20 =	rddreg [dreg:$0x7];
	[sflag:s23] =	ssyncadd.s32 $0xFFFFFF00  }
0x36: {  	[tilespmem:s24], [sflag:$0x7] =	stream.linear.gather [hbm4b:s20+s5], $0x80, $0x38;
	[tilespmem:$0x1E400] =	vst v63  }
0x37: {  	_ =	swait.ge [sflag:s23], $0x80  }
0x38: {  	[sflag:s23] =	ssyncset.done $0x0  }
0x39: {  	s21 =	rddreg [dreg:$0x8];
	[sflag:s23] =	ssyncadd.s32 $0xFFFFFF80  }
0x3a: {  	[tilespmem:s25], [sflag:$0x4] =	stream.linear.gather [hbm4b:s21+s5], $0x100, $0x38;
	[tilespmem:$0x1E400] =	vst v63  }
0x3b: {  	s18 =	simm.s32 $0x140;
	s17 =	simm.s32 $0x0;
	s22 =	rddreg [dreg:$0x9]  }
0x3c: {  	[tilespmem:s26], [sflag:$0x4] =	stream.linear.gather [hbm4b:s22+s5], $0x80, $0x38;
	[tilespmem:$0x1E400] =	vst v63  }
.LBB2_2:
0x3d: {  	p0 =	sne.s32 s18, $0x9EC0;
	[tilespmem:s17+$0x2B40] =	vst v0;
	s11 =	smov.u32 s18;
	s18 =	sadd.s32 $0x140, s18  }
.Ltmp2:
0x3e: {  	[tilespmem:s17+$0x2B30] =	vst v0;
	(pc) =	sbr.rel @p0 .LBB2_2-.Ltmp2, $4  }
0x3f: {  	[tilespmem:s17+$0x2B20] =	vst v0  }
0x40: {  	[tilespmem:s17+$0x2B00] =	vst v0  }
0x41: {  	[tilespmem:s17+$0x2B10] =	vst v0  }
0x42: {  	s17 =	sshra.s32 s11, $0x2  }
0x43: {  	[tilespmem:s17+$0x2B40] =	vst v0  }
0x44: {  	[tilespmem:s17+$0x2B30] =	vst v0  }
0x45: {  	[tilespmem:s17+$0x2B20] =	vst v0  }
0x46: {  	[tilespmem:s17+$0x2B00] =	vst v0  }
0x47: {  	[tilespmem:s17+$0x2B10] =	vst v0  }
0x48: {  	[spmem:s15] =	stream.linear.scatter [tilespmem:s28], [sflag:$0x7], $0x2800, $0x38;
	[tilespmem:$0x1E400] =	vst v63  }
0x49: {  	_ =	swait.ge [sflag:s23], $0x2800  }
0x4a: {  	[sflag:s23] =	ssyncset.done $0x0  }
0x4b: {  	s11 =	rddreg [dreg:$0xa];
	[sflag:s23] =	ssyncadd.s32 $0xFFFFD800  }
0x4c: {  	[spmem:s11] =	stream.linear.scatter [tilespmem:s28], [sflag:$0x7], $0x2800, $0x38;
	[tilespmem:$0x1E400] =	vst v63  }
0x4d: {  	_ =	swait.ge [sflag:s23], $0x2800  }
0x4e: {  	[sflag:s23] =	ssyncset.done $0x0  }
0x4f: {  	s20 =	rddreg [dreg:$0xb];
	[sflag:s23] =	ssyncadd.s32 $0xFFFFD800  }
0x50: {  	[spmem:s20] =	stream.linear.scatter [tilespmem:s28], [sflag:$0x7], $0x2800, $0x38;
	[tilespmem:$0x1E400] =	vst v63  }
0x51: {  	_ =	swait.ge [sflag:s23], $0x2800  }
0x52: {  	[sflag:s23] =	ssyncset.done $0x0  }
0x53: {  	s21 =	rddreg [dreg:$0xc];
	[sflag:s23] =	ssyncadd.s32 $0xFFFFD800  }
0x54: {  	[spmem:s21] =	stream.linear.scatter [tilespmem:s28], [sflag:$0x7], $0x2800, $0x38;
	[tilespmem:$0x1E400] =	vst v63  }
0x55: {  	_ =	swait.ge [sflag:s23], $0x2800  }
0x56: {  	[sflag:s23] =	ssyncset.done $0x0  }
0x57: {  	s22 =	rddreg [dreg:$0xd];
	[sflag:s23] =	ssyncadd.s32 $0xFFFFD800  }
0x58: {  	[spmem:s22] =	stream.linear.scatter [tilespmem:s28], [sflag:$0x7], $0x2800, $0x38;
	[tilespmem:$0x1E400] =	vst v63  }
0x59: {  	_ =	swait.ge [sflag:s23], $0x2800  }
0x5a: {  	[sflag:s23] =	ssyncset.done $0x0  }
0x5b: {  	[sflag:s23] =	ssyncadd.s32 $0xFFFFD800  }
0x5c: {  	s17 =	simm.s32 $0x0;
	s18 =	simm.s32 $0x0;
	[bflag:$0x0] =	sbarrier.arrive $0xFFFF  }
0x5d: {  	[tilespmem:s30], [sflag:$0x1] =	stream.indirect.gather [spmem:s3], $0x50, s17, s29, $0xb8;
	[tilespmem:$0x1E400] =	vst v63  }
.LBB2_4:
0x5e: {  	_ =	swait.ge [sflag:s31], $0x2800  }
0x5f: {  	p0 =	seq.s32 s18, $0x0;
	[sflag:s31] =	ssyncset.done $0x0  }
0x60: {  	s11 =	simm.s32 @!p0 $0x6;
	[sflag:s31] =	ssyncadd.s32 $0xFFFFD800  }
0x61: {  	_ =	swait.ge @!p0 [sflag:s11], $0x2800  }
0x62: {  	[sflag:s11] =	ssyncset.done @!p0 $0x0  }
0x63: {  	[sflag:s11] =	ssyncadd.s32 @!p0 $0xFFFFD800  }
0x64: {  	v1 =	vmov s17;
	s12 =	simm.s32 $0x3;
	s19 =	simm.s32 $0x1;
	_ =	swait.ge [sflag:s1], $0x100  }
0x65: {  	s20 =	simm.s32 $0x2;
	v1 =	vand.u32 $0xFFFFFFFC, v1;
	v2 =	vmov s12;
	v3 =	vmov s19;
	[sflag:s1] =	ssyncset.done $0x0  }
0x66: {  	v4 =	vbroadcast v1, $0x0;
	v1 =	vand.u32 $0xFFFFFFFD, v3;
	v3 =	vmov s20;
	[sflag:s1] =	ssyncadd.s32 $0xFFFFFF00  }
0x67: {  	v5 =	vbroadcast v1, $0x0;
	v1 =	vand.u32 $0xFFFFFFFE, v3;
	_ =	swait.ge [sflag:s1], $0x80  }
0x68: {  	v6 =	vbroadcast v1, $0x0;
	[sflag:s1] =	ssyncset.done $0x0  }
0x69: {  	[sflag:s1] =	ssyncadd.s32 $0xFFFFFF80  }
0x6a: {  	[tilespmem:s28], [sflag:$0x2] =	stream.indirect.gather [spmem:s3], $0x50, s25, s29, $0xb8;
	[tilespmem:$0x1E400] =	vst v63  }
0x6b: {  	v1 =	vld.idx.msk [tilespmem:v2+s24+$0x0], $0xffff  }
0x6c: {  	v4 =	vld.idx.msk [tilespmem:v4+s24+$0x0], $0xffff  }
0x6d: {  	v3 =	vld.idx.msk [tilespmem:v5+s24+$0x0], $0xffff  }
0x6e: {  	s20 =	simm.s32 $0x3A0;
	v2 =	vld.idx.msk [tilespmem:v6+s24+$0x0], $0xffff  }
0x6f: {  	v5 =	vld [tilespmem:s20+$0x40]  }
0x70: {  	v6 =	vld [tilespmem:s20+$0xFFFFFF60]  }
0x71: {  	v7 =	vld [tilespmem:s20+$0xFFFFFF70]  }
0x72: {  	v8 =	vld [tilespmem:s20+$0xFFFFFF80]  }
0x73: {  	v9 =	vld [tilespmem:s20+$0xFFFFFF90]  }
0x74: {  	v10 =	vld [tilespmem:s20+$0xFFFFFFA0];
	v5 =	vmul.f32 v5, v2  }
0x75: {  	v11 =	vld [tilespmem:s20+$0xFFFFFFB0];
	v6 =	vmul.f32 v6, v4  }
0x76: {  	v12 =	vld [tilespmem:s20+$0xFFFFFFC0];
	v7 =	vmul.f32 v7, v4;
	[tilespmem:s20+$0x40] =	vst v5  }
0x77: {  	[tilespmem:s20+$0xFFFFFF60] =	vst v6;
	v5 =	vmul.f32 v8, v4;
	v8 =	vld [tilespmem:s20+$0xFFFFFFD0]  }
0x78: {  	v14 =	vld [tilespmem:s20+$0xFFFFFFE0];
	[tilespmem:s20+$0xFFFFFF70] =	vst v7;
	v6 =	vmul.f32 v9, v4  }
0x79: {  	v7 =	vmul.f32 v10, v4;
	[tilespmem:s20+$0xFFFFFF80] =	vst v5;
	v5 =	vld [tilespmem:s20+$0xFFFFFFF0]  }
0x7a: {  	s21 =	simm.s32 $0x4;
	v9 =	vmul.f32 v11, v3;
	v4 =	vld [tilespmem:s20+$0x0];
	[tilespmem:s20+$0xFFFFFF90] =	vst v6  }
0x7b: {  	s22 =	simm.s32 $0x7;
	v10 =	vmul.f32 v12, v3;
	v6 =	vmov s21;
	[tilespmem:s20+$0xFFFFFFA0] =	vst v7;
	v7 =	vld [tilespmem:s20+$0x10]  }
0x7c: {  	s19 =	sshll.u32 s18, $0x1;
	s21 =	simm.s32 $0x5;
	[tilespmem:s20+$0xFFFFFFB0] =	vst v9;
	v9 =	vld [tilespmem:s20+$0x20];
	v12 =	vand.u32 $0xFFFFFFFC, v6;
	v6 =	vmov s22;
	v11 =	vmul.f32 v8, v3  }
0x7d: {  	s11 =	simm.s32 $0x6;
	[tilespmem:s20+$0xFFFFFFC0] =	vst v10;
	v10 =	vld [tilespmem:s20+$0x30];
	v13 =	vmov s21;
	s22 =	simm.s32 $0x8;
	s21 =	simm.s32 $0x3A0;
	v8 =	vbroadcast v12, $0x0;
	v12 =	vmul.f32 v14, v3  }
.LBB2_5:
0x7e: {  	p0 =	slt.u32 s22, $0x7C;
	v13 =	vand.u32 $0xFFFFFFFD, v13;
	v14 =	vmov s11;
	[tilespmem:s20+$0xFFFFFFD0] =	vst v11;
	v3 =	vmul.f32 v5, v3;
	v5 =	vld [tilespmem:s20+$0x50]  }
0x7f: {  	v11 =	vbroadcast v13, $0x0;
	v13 =	vand.u32 $0xFFFFFFFE, v14;
	[tilespmem:s20+$0xFFFFFFE0] =	vst v12;
	v4 =	vmul.f32 v4, v2;
	v12 =	vld [tilespmem:s20+$0x60]  }
0x80: {  	v13 =	vbroadcast v13, $0x0;
	[tilespmem:s20+$0xFFFFFFF0] =	vst v3;
	v3 =	vmul.f32 v7, v2;
	v7 =	vld [tilespmem:s20+$0x70]  }
0x81: {  	[tilespmem:s20+$0x0] =	vst v4;
	v4 =	vmul.f32 v9, v2;
	v9 =	vld [tilespmem:s20+$0x80]  }
0x82: {  	[tilespmem:s20+$0x10] =	vst v3;
	v2 =	vmul.f32 v10, v2;
	v10 =	vld [tilespmem:s20+$0x90]  }
0x83: {  	v6 =	vld.idx.msk [tilespmem:v6+s24+$0x0], $0xffff;
	[tilespmem:s20+$0x20] =	vst v4;
	v4 =	vmul.f32 v5, v1  }
0x84: {  	v5 =	vld.idx.msk [tilespmem:v8+s24+$0x0], $0xffff;
	[tilespmem:s20+$0x30] =	vst v2;
	v8 =	vmul.f32 v12, v1  }
0x85: {  	v3 =	vld.idx.msk [tilespmem:v11+s24+$0x0], $0xffff;
	[tilespmem:s20+$0x50] =	vst v4;
	v4 =	vmul.f32 v7, v1  }
0x86: {  	s20 =	sadd.s32 $0x140, s20;
	v2 =	vld.idx.msk [tilespmem:v13+s24+$0x0], $0xffff;
	[tilespmem:s21+$0x60] =	vst v8;
	v7 =	vmul.f32 v9, v1  }
0x87: {  	v8 =	vld [tilespmem:s20+$0x40];
	[tilespmem:s21+$0x70] =	vst v4;
	v9 =	vmul.f32 v10, v1  }
0x88: {  	v4 =	vld [tilespmem:s20+$0xFFFFFF60];
	[tilespmem:s21+$0x80] =	vst v7  }
0x89: {  	v1 =	vmov v6;
	v7 =	vld [tilespmem:s20+$0xFFFFFF70];
	[tilespmem:s21+$0x90] =	vst v9;
	s21 =	smov.u32 s20  }
0x8a: {  	v6 =	vld [tilespmem:s20+$0xFFFFFF80]  }
0x8b: {  	v9 =	vld [tilespmem:s20+$0xFFFFFF90]  }
0x8c: {  	v10 =	vld [tilespmem:s20+$0xFFFFFFA0];
	v8 =	vmul.f32 v8, v2  }
0x8d: {  	v4 =	vmul.f32 v4, v5;
	v11 =	vld [tilespmem:s20+$0xFFFFFFB0]  }
0x8e: {  	v7 =	vmul.f32 v7, v5;
	v12 =	vld [tilespmem:s20+$0xFFFFFFC0];
	[tilespmem:s20+$0x40] =	vst v8  }
0x8f: {  	[tilespmem:s20+$0xFFFFFF60] =	vst v4;
	v4 =	vmul.f32 v6, v5;
	v8 =	vld [tilespmem:s20+$0xFFFFFFD0]  }
0x90: {  	[tilespmem:s20+$0xFFFFFF70] =	vst v7;
	v6 =	vmul.f32 v9, v5;
	v14 =	vld [tilespmem:s20+$0xFFFFFFE0]  }
.Ltmp3:
0x91: {  	[tilespmem:s20+$0xFFFFFF80] =	vst v4;
	v7 =	vmul.f32 v10, v5;
	v5 =	vld [tilespmem:s20+$0xFFFFFFF0];
	(pc) =	sbr.rel @p0 .LBB2_5-.Ltmp3, $4  }
0x92: {  	[tilespmem:s20+$0xFFFFFF90] =	vst v6;
	v9 =	vmul.f32 v11, v3;
	v4 =	vld [tilespmem:s20+$0x0]  }
0x93: {  	s11 =	sadd.s32 $0x3, s22;
	v6 =	vmov s22;
	[tilespmem:s20+$0xFFFFFFA0] =	vst v7;
	v10 =	vmul.f32 v12, v3;
	v7 =	vld [tilespmem:s20+$0x10]  }
0x94: {  	s12 =	sadd.s32 $0x1, s22;
	v12 =	vand.u32 $0xFFFFFFFC, v6;
	v6 =	vmov s11;
	[tilespmem:s20+$0xFFFFFFB0] =	vst v9;
	v11 =	vmul.f32 v8, v3;
	v9 =	vld [tilespmem:s20+$0x20]  }
0x95: {  	v13 =	vmov s12;
	s11 =	sadd.s32 $0x2, s22;
	s22 =	sadd.s32 $0x4, s22;
	v8 =	vbroadcast v12, $0x0;
	[tilespmem:s20+$0xFFFFFFC0] =	vst v10;
	v12 =	vmul.f32 v14, v3;
	v10 =	vld [tilespmem:s20+$0x30]  }
0x96: {  	v15 =	vld [tilespmem:s20+$0x50]  }
0x97: {  	v16 =	vld [tilespmem:s20+$0x60]  }
0x98: {  	v14 =	vmov s11;
	v17 =	vld [tilespmem:s20+$0x70]  }
0x99: {  	v18 =	vld [tilespmem:s20+$0x80];
	[tilespmem:s20+$0xFFFFFFD0] =	vst v11;
	v3 =	vmul.f32 v5, v3;
	v14 =	vand.u32 $0xFFFFFFFE, v14  }
0x9a: {  	v5 =	vld [tilespmem:s20+$0x90];
	[tilespmem:s20+$0xFFFFFFE0] =	vst v12;
	v4 =	vmul.f32 v4, v2;
	v14 =	vbroadcast v14, $0x0  }
0x9b: {  	v13 =	vand.u32 $0xFFFFFFFD, v13;
	v6 =	vld.idx.msk [tilespmem:v6+s24+$0x0], $0xffff;
	s22 =	sadd.s32 $0x140, s20;
	[tilespmem:s20+$0xFFFFFFF0] =	vst v3;
	v3 =	vmul.f32 v7, v2  }
0x9c: {  	v13 =	vbroadcast v13, $0x0;
	v11 =	vld [tilespmem:s22+$0xFFFFFF70];
	[tilespmem:s20+$0x0] =	vst v4;
	v4 =	vmul.f32 v9, v2  }
0x9d: {  	v7 =	vld.idx.msk [tilespmem:v8+s24+$0x0], $0xffff;
	[tilespmem:s20+$0x10] =	vst v3;
	v2 =	vmul.f32 v10, v2  }
0x9e: {  	v9 =	vld [tilespmem:s22+$0x40];
	[tilespmem:s20+$0x20] =	vst v4;
	v4 =	vmul.f32 v15, v1  }
0x9f: {  	v10 =	vld [tilespmem:s22+$0xFFFFFF60];
	[tilespmem:s20+$0x30] =	vst v2;
	v2 =	vmul.f32 v16, v1  }
0xa0: {  	[tilespmem:s20+$0x50] =	vst v4;
	v4 =	vmul.f32 v17, v1;
	v3 =	vld.idx.msk [tilespmem:v14+s24+$0x0], $0xffff  }
0xa1: {  	v12 =	vld [tilespmem:s22+$0xFFFFFF80];
	[tilespmem:s21+$0x60] =	vst v2;
	v2 =	vmul.f32 v18, v1  }
0xa2: {  	v8 =	vld.idx.msk [tilespmem:v13+s24+$0x0], $0xffff;
	v1 =	vmul.f32 v5, v1;
	[tilespmem:s21+$0x70] =	vst v4  }
0xa3: {  	v4 =	vld [tilespmem:s22+$0xFFFFFF90];
	[tilespmem:s21+$0x80] =	vst v2  }
0xa4: {  	v2 =	vld [tilespmem:s22+$0xFFFFFFA0];
	[tilespmem:s21+$0x90] =	vst v1;
	v1 =	vmul.f32 v10, v7  }
0xa5: {  	v5 =	vmul.f32 v9, v3;
	v9 =	vld [tilespmem:s22+$0xFFFFFFB0]  }
0xa6: {  	v10 =	vmul.f32 v11, v7;
	v11 =	vld [tilespmem:s22+$0xFFFFFFC0];
	[tilespmem:s22+$0xFFFFFF60] =	vst v1  }
0xa7: {  	v1 =	vmul.f32 v12, v7;
	[tilespmem:s22+$0x40] =	vst v5;
	v5 =	vld [tilespmem:s22+$0xFFFFFFD0]  }
0xa8: {  	[tilespmem:s22+$0xFFFFFF70] =	vst v10;
	v10 =	vld [tilespmem:s22+$0xFFFFFFE0];
	v4 =	vmul.f32 v4, v7  }
0xa9: {  	[tilespmem:s22+$0xFFFFFF80] =	vst v1;
	v1 =	vmul.f32 v2, v7;
	v2 =	vld [tilespmem:s22+$0xFFFFFFF0]  }
0xaa: {  	v7 =	vld [tilespmem:s22+$0x0];
	[tilespmem:s22+$0xFFFFFF90] =	vst v4;
	v4 =	vmul.f32 v9, v8  }
0xab: {  	[tilespmem:s22+$0xFFFFFFA0] =	vst v1;
	v1 =	vmul.f32 v11, v8;
	v9 =	vld [tilespmem:s22+$0x10]  }
0xac: {  	[tilespmem:s22+$0xFFFFFFB0] =	vst v4;
	v4 =	vmul.f32 v5, v8;
	v5 =	vld [tilespmem:s22+$0x20]  }
0xad: {  	[tilespmem:s22+$0xFFFFFFC0] =	vst v1;
	v1 =	vmul.f32 v10, v8;
	v10 =	vld [tilespmem:s22+$0x30]  }
0xae: {  	v2 =	vmul.f32 v2, v8;
	[tilespmem:s22+$0xFFFFFFD0] =	vst v4;
	v4 =	vld [tilespmem:s22+$0x50]  }
0xaf: {  	[tilespmem:s22+$0xFFFFFFE0] =	vst v1;
	v1 =	vmul.f32 v7, v3;
	v7 =	vld [tilespmem:s22+$0x60]  }
0xb0: {  	v8 =	vld [tilespmem:s22+$0x70];
	[tilespmem:s22+$0xFFFFFFF0] =	vst v2;
	v2 =	vmul.f32 v9, v3  }
0xb1: {  	[tilespmem:s22+$0x0] =	vst v1;
	v1 =	vmul.f32 v5, v3;
	v5 =	vld [tilespmem:s22+$0x80]  }
0xb2: {  	[tilespmem:s22+$0x10] =	vst v2;
	v2 =	vmul.f32 v10, v3;
	v3 =	vld [tilespmem:s22+$0x90]  }
0xb3: {  	[tilespmem:s22+$0x20] =	vst v1;
	v1 =	vmul.f32 v4, v6  }
0xb4: {  	[tilespmem:s22+$0x30] =	vst v2;
	v2 =	vmul.f32 v7, v6  }
0xb5: {  	[tilespmem:s22+$0x50] =	vst v1;
	v1 =	vmul.f32 v8, v6  }
0xb6: {  	[tilespmem:s22+$0x60] =	vst v2;
	v2 =	vmul.f32 v5, v6  }
0xb7: {  	[tilespmem:s22+$0x70] =	vst v1;
	v1 =	vmul.f32 v3, v6  }
0xb8: {  	[tilespmem:s22+$0x80] =	vst v2  }
0xb9: {  	[tilespmem:s22+$0x90] =	vst v1  }
0xba: {  	v1 =	vld [tilespmem:$0x80]  }
0xbb: {  	v2 =	vld [tilespmem:$0x90]  }
0xbc: {  	v3 =	vld [tilespmem:$0xA0]  }
0xbd: {  	v4 =	vld [tilespmem:$0xB0]  }
0xbe: {  	v5 =	vld [tilespmem:$0xC0]  }
0xbf: {  	[tilespmem:$0x5300] =	vst v1;
	v1 =	vld [tilespmem:$0xD0]  }
0xc0: {  	[tilespmem:$0x5310] =	vst v2;
	v2 =	vld [tilespmem:$0xE0]  }
0xc1: {  	[tilespmem:$0x5320] =	vst v3;
	v3 =	vld [tilespmem:$0xF0]  }
0xc2: {  	p0 =	sne.s32 s18, $0x27;
	[tilespmem:$0x5330] =	vst v4  }
0xc3: {  	s11 =	sadd.s32 @p0 $0x2, s19;
	[tilespmem:$0x5340] =	vst v5  }
0xc4: {  	s12 =	sshll.u32 @p0 s11, $0x8;
	[tilespmem:$0x5350] =	vst v1  }
0xc5: {  	s11 =	sshll.u32 @p0 s11, $0x7;
	s12 =	sadd.s32 @p0 s7, s12;
	[tilespmem:$0x5360] =	vst v2  }
0xc6: {  	s11 =	sadd.s32 @p0 s9, s11;
	s12 =	sshrl.u32 @p0 s12, $0x3;
	[tilespmem:$0x5370] =	vst v3  }
0xc7: {  	[spmem:s4] =	stream.indirect.scatter.add.f32 [tilespmem:s30], [sflag:$0x5], $0x50, s0, s29, $0xb8;
	[tilespmem:$0x1E400] =	vst v63  }
0xc8: {  	s11 =	sshrl.u32 @p0 s11, $0x3;
	s12 =	sadd.s32 @p0 s6, s12;
	s20 =	simm.s32 @p0 $0x0  }
0xc9: {  	[tilespmem:s20], [sflag:$0x3] =	stream.linear.gather @p0 [hbm4b:s12+s20], $0x100, $0x38;
	[tilespmem:$0x1E400] =	vst v63  }
0xca: {  	s11 =	sadd.s32 @p0 s2, s11;
	s12 =	simm.s32 @p0 $0x200  }
0xcb: {  	[tilespmem:s12], [sflag:$0x3] =	stream.linear.gather @p0 [hbm4b:s11+s20], $0x80, $0x38;
	[tilespmem:$0x1E400] =	vst v63  }
0xcc: {  	s11 =	simm.s32 @p0 $0x2  }
0xcd: {  	_ =	swait.ge @p0 [sflag:s11], $0x2800  }
0xce: {  	[sflag:s11] =	ssyncset.done @p0 $0x0  }
0xcf: {  	[sflag:s11] =	ssyncadd.s32 @p0 $0xFFFFD800;
	s11 =	simm.s32 @p0 $0x5  }
0xd0: {  	_ =	swait.ge @p0 [sflag:s11], $0x2800  }
0xd1: {  	[sflag:s11] =	ssyncset.done @p0 $0x0  }
0xd2: {  	[sflag:s11] =	ssyncadd.s32 @p0 $0xFFFFD800;
	s11 =	simm.s32 @p0 $0x3  }
0xd3: {  	_ =	swait.ge @p0 [sflag:s11], $0x100  }
0xd4: {  	[sflag:s11] =	ssyncset.done @p0 $0x0  }
0xd5: {  	s22 =	simm.s32 $0x0;
	[sflag:s11] =	ssyncadd.s32 @p0 $0xFFFFFF00  }
0xd6: {  	v1 =	vmov s22;
	s22 =	simm.s32 $0x1;
	_ =	swait.ge @p0 [sflag:s11], $0x80  }
0xd7: {  	s21 =	simm.s32 @p0 $0x80;
	v1 =	vand.u32 $0xFFFFFFFC, v1;
	v3 =	vmov s22;
	s22 =	simm.s32 $0x2;
	[sflag:s11] =	ssyncset.done @p0 $0x0  }
0xd8: {  	v4 =	vbroadcast v1, $0x0;
	s12 =	simm.s32 $0x3;
	[sflag:s11] =	ssyncadd.s32 @p0 $0xFFFFFF80;
	s11 =	simm.s32 @p0 $0x300  }
0xd9: {  	v1 =	vand.u32 $0xFFFFFFFD, v3;
	v3 =	vmov s22;
	v2 =	vmov s12;
	[tilespmem:s11], [sflag:$0x1] =	stream.indirect.gather @p0 [spmem:s3], $0x50, s20, s21, $0xb8;
	[tilespmem:$0x1E400] =	vst v63  }
0xda: {  	v5 =	vbroadcast v1, $0x0;
	v1 =	vand.u32 $0xFFFFFFFE, v3;
	s11 =	simm.s32 @!p0 $0x2  }
0xdb: {  	v6 =	vbroadcast v1, $0x0;
	_ =	swait.ge @!p0 [sflag:s11], $0x2800  }
0xdc: {  	[sflag:s11] =	ssyncset.done @!p0 $0x0  }
0xdd: {  	[sflag:s11] =	ssyncadd.s32 @!p0 $0xFFFFD800  }
0xde: {  	v1 =	vld.idx.msk [tilespmem:v2+s26+$0x0], $0xffff  }
0xdf: {  	v4 =	vld.idx.msk [tilespmem:v4+s26+$0x0], $0xffff  }
0xe0: {  	v3 =	vld.idx.msk [tilespmem:v5+s26+$0x0], $0xffff  }
0xe1: {  	s20 =	simm.s32 $0x2BA0;
	v2 =	vld.idx.msk [tilespmem:v6+s26+$0x0], $0xffff  }
0xe2: {  	v5 =	vld [tilespmem:s20+$0x40]  }
0xe3: {  	v6 =	vld [tilespmem:s20+$0xFFFFFF60]  }
0xe4: {  	v7 =	vld [tilespmem:s20+$0xFFFFFF70]  }
0xe5: {  	v8 =	vld [tilespmem:s20+$0xFFFFFF80]  }
0xe6: {  	v9 =	vld [tilespmem:s20+$0xFFFFFF90]  }
0xe7: {  	v10 =	vld [tilespmem:s20+$0xFFFFFFA0];
	v5 =	vmul.f32 v5, v2  }
0xe8: {  	v11 =	vld [tilespmem:s20+$0xFFFFFFB0];
	v6 =	vmul.f32 v6, v4  }
0xe9: {  	v12 =	vld [tilespmem:s20+$0xFFFFFFC0];
	v7 =	vmul.f32 v7, v4;
	[tilespmem:s20+$0x40] =	vst v5  }
0xea: {  	[tilespmem:s20+$0xFFFFFF60] =	vst v6;
	v5 =	vmul.f32 v8, v4;
	v8 =	vld [tilespmem:s20+$0xFFFFFFD0]  }
0xeb: {  	v14 =	vld [tilespmem:s20+$0xFFFFFFE0];
	[tilespmem:s20+$0xFFFFFF70] =	vst v7;
	v6 =	vmul.f32 v9, v4  }
0xec: {  	v7 =	vmul.f32 v10, v4;
	[tilespmem:s20+$0xFFFFFF80] =	vst v5;
	v5 =	vld [tilespmem:s20+$0xFFFFFFF0]  }
0xed: {  	s12 =	simm.s32 $0x4;
	v9 =	vmul.f32 v11, v3;
	v4 =	vld [tilespmem:s20+$0x0];
	[tilespmem:s20+$0xFFFFFF90] =	vst v6  }
0xee: {  	s22 =	simm.s32 $0x5;
	v10 =	vmul.f32 v12, v3;
	v6 =	vmov s12;
	[tilespmem:s20+$0xFFFFFFA0] =	vst v7;
	v7 =	vld [tilespmem:s20+$0x10]  }
0xef: {  	v13 =	vmov s22;
	s21 =	simm.s32 $0x7;
	[tilespmem:s20+$0xFFFFFFB0] =	vst v9;
	v9 =	vld [tilespmem:s20+$0x20];
	v12 =	vand.u32 $0xFFFFFFFC, v6;
	v11 =	vmul.f32 v8, v3  }
0xf0: {  	s22 =	simm.s32 $0x8;
	s11 =	simm.s32 $0x6;
	[tilespmem:s20+$0xFFFFFFC0] =	vst v10;
	v10 =	vld [tilespmem:s20+$0x30];
	v6 =	vmov s21;
	s21 =	simm.s32 $0x2BA0;
	v8 =	vbroadcast v12, $0x0;
	v12 =	vmul.f32 v14, v3  }
.LBB2_7:
0xf1: {  	p0 =	slt.u32 s22, $0x7C;
	v13 =	vand.u32 $0xFFFFFFFD, v13;
	v14 =	vmov s11;
	[tilespmem:s20+$0xFFFFFFD0] =	vst v11;
	v3 =	vmul.f32 v5, v3;
	v5 =	vld [tilespmem:s20+$0x50]  }
0xf2: {  	v11 =	vbroadcast v13, $0x0;
	v13 =	vand.u32 $0xFFFFFFFE, v14;
	[tilespmem:s20+$0xFFFFFFE0] =	vst v12;
	v4 =	vmul.f32 v4, v2;
	v12 =	vld [tilespmem:s20+$0x60]  }
0xf3: {  	v13 =	vbroadcast v13, $0x0;
	[tilespmem:s20+$0xFFFFFFF0] =	vst v3;
	v3 =	vmul.f32 v7, v2;
	v7 =	vld [tilespmem:s20+$0x70]  }
0xf4: {  	[tilespmem:s20+$0x0] =	vst v4;
	v4 =	vmul.f32 v9, v2;
	v9 =	vld [tilespmem:s20+$0x80]  }
0xf5: {  	[tilespmem:s20+$0x10] =	vst v3;
	v2 =	vmul.f32 v10, v2;
	v10 =	vld [tilespmem:s20+$0x90]  }
0xf6: {  	v6 =	vld.idx.msk [tilespmem:v6+s26+$0x0], $0xffff;
	[tilespmem:s20+$0x20] =	vst v4;
	v4 =	vmul.f32 v5, v1  }
0xf7: {  	v5 =	vld.idx.msk [tilespmem:v8+s26+$0x0], $0xffff;
	[tilespmem:s20+$0x30] =	vst v2;
	v8 =	vmul.f32 v12, v1  }
0xf8: {  	v3 =	vld.idx.msk [tilespmem:v11+s26+$0x0], $0xffff;
	[tilespmem:s20+$0x50] =	vst v4;
	v4 =	vmul.f32 v7, v1  }
0xf9: {  	s20 =	sadd.s32 $0x140, s20;
	v2 =	vld.idx.msk [tilespmem:v13+s26+$0x0], $0xffff;
	[tilespmem:s21+$0x60] =	vst v8;
	v7 =	vmul.f32 v9, v1  }
0xfa: {  	v8 =	vld [tilespmem:s20+$0x40];
	[tilespmem:s21+$0x70] =	vst v4;
	v9 =	vmul.f32 v10, v1  }
0xfb: {  	v4 =	vld [tilespmem:s20+$0xFFFFFF60];
	[tilespmem:s21+$0x80] =	vst v7  }
0xfc: {  	v1 =	vmov v6;
	v7 =	vld [tilespmem:s20+$0xFFFFFF70];
	[tilespmem:s21+$0x90] =	vst v9;
	s21 =	smov.u32 s20  }
0xfd: {  	v6 =	vld [tilespmem:s20+$0xFFFFFF80]  }
0xfe: {  	v9 =	vld [tilespmem:s20+$0xFFFFFF90]  }
0xff: {  	v10 =	vld [tilespmem:s20+$0xFFFFFFA0];
	v8 =	vmul.f32 v8, v2  }
0x100: {  	v4 =	vmul.f32 v4, v5;
	v11 =	vld [tilespmem:s20+$0xFFFFFFB0]  }
0x101: {  	v7 =	vmul.f32 v7, v5;
	v12 =	vld [tilespmem:s20+$0xFFFFFFC0];
	[tilespmem:s20+$0x40] =	vst v8  }
0x102: {  	[tilespmem:s20+$0xFFFFFF60] =	vst v4;
	v4 =	vmul.f32 v6, v5;
	v8 =	vld [tilespmem:s20+$0xFFFFFFD0]  }
0x103: {  	[tilespmem:s20+$0xFFFFFF70] =	vst v7;
	v6 =	vmul.f32 v9, v5;
	v14 =	vld [tilespmem:s20+$0xFFFFFFE0]  }
.Ltmp4:
0x104: {  	[tilespmem:s20+$0xFFFFFF80] =	vst v4;
	v7 =	vmul.f32 v10, v5;
	v5 =	vld [tilespmem:s20+$0xFFFFFFF0];
	(pc) =	sbr.rel @p0 .LBB2_7-.Ltmp4, $4  }
0x105: {  	[tilespmem:s20+$0xFFFFFF90] =	vst v6;
	v9 =	vmul.f32 v11, v3;
	v4 =	vld [tilespmem:s20+$0x0]  }
0x106: {  	s11 =	sadd.s32 $0x3, s22;
	v6 =	vmov s22;
	[tilespmem:s20+$0xFFFFFFA0] =	vst v7;
	v10 =	vmul.f32 v12, v3;
	v7 =	vld [tilespmem:s20+$0x10]  }
0x107: {  	s12 =	sadd.s32 $0x1, s22;
	v12 =	vand.u32 $0xFFFFFFFC, v6;
	v6 =	vmov s11;
	[tilespmem:s20+$0xFFFFFFB0] =	vst v9;
	v11 =	vmul.f32 v8, v3;
	v9 =	vld [tilespmem:s20+$0x20]  }
0x108: {  	v13 =	vmov s12;
	s11 =	sadd.s32 $0x2, s22;
	s22 =	sadd.s32 $0x4, s22;
	v8 =	vbroadcast v12, $0x0;
	[tilespmem:s20+$0xFFFFFFC0] =	vst v10;
	v12 =	vmul.f32 v14, v3;
	v10 =	vld [tilespmem:s20+$0x30]  }
0x109: {  	v15 =	vld [tilespmem:s20+$0x50]  }
0x10a: {  	v16 =	vld [tilespmem:s20+$0x60]  }
0x10b: {  	v17 =	vld [tilespmem:s20+$0x70]  }
0x10c: {  	v18 =	vld [tilespmem:s20+$0x80]  }
0x10d: {  	[tilespmem:s20+$0xFFFFFFD0] =	vst v11;
	v3 =	vmul.f32 v5, v3;
	v35 =	vld [tilespmem:s20+$0x90]  }
0x10e: {  	v6 =	vld.idx.msk [tilespmem:v6+s26+$0x0], $0xffff;
	[tilespmem:s20+$0xFFFFFFE0] =	vst v12;
	v4 =	vmul.f32 v4, v2  }
0x10f: {  	v13 =	vand.u32 $0xFFFFFFFD, v13;
	s22 =	sadd.s32 $0x140, s20;
	v36 =	vld.idx.msk [tilespmem:v8+s26+$0x0], $0xffff;
	[tilespmem:s20+$0xFFFFFFF0] =	vst v3;
	v3 =	vmul.f32 v7, v2  }
0x110: {  	v13 =	vbroadcast v13, $0x0;
	v40 =	vld [tilespmem:s22+$0x40];
	[tilespmem:s20+$0x0] =	vst v4;
	v37 =	vmul.f32 v9, v2  }
0x111: {  	v41 =	vld [tilespmem:s22+$0xFFFFFF60];
	[tilespmem:s20+$0x10] =	vst v3;
	v2 =	vmul.f32 v10, v2  }
0x112: {  	v14 =	vmov s11;
	v43 =	vld [tilespmem:s22+$0xFFFFFF70];
	[tilespmem:s20+$0x20] =	vst v37;
	v39 =	vmul.f32 v15, v1  }
0x113: {  	v14 =	vand.u32 $0xFFFFFFFE, v14;
	v44 =	vld [tilespmem:s22+$0xFFFFFF80];
	[tilespmem:s20+$0x30] =	vst v2;
	v2 =	vmul.f32 v16, v1  }
0x114: {  	v45 =	vld [tilespmem:s22+$0xFFFFFF90];
	v14 =	vbroadcast v14, $0x0;
	v42 =	vmul.f32 v17, v1;
	[tilespmem:s20+$0x50] =	vst v39  }
0x115: {  	v47 =	vld [tilespmem:s22+$0xFFFFFFB0];
	[tilespmem:s21+$0x60] =	vst v2;
	v2 =	vmul.f32 v18, v1  }
0x116: {  	v38 =	vld.idx.msk [tilespmem:v13+s26+$0x0], $0xffff;
	[tilespmem:s21+$0x70] =	vst v42;
	v1 =	vmul.f32 v35, v1  }
0x117: {  	v48 =	vmul.f32 v43, v36;
	[tilespmem:s21+$0x80] =	vst v2;
	v2 =	vld [tilespmem:s22+$0xFFFFFFA0]  }
0x118: {  	v50 =	vld [tilespmem:s22+$0xFFFFFFD0];
	[tilespmem:s21+$0x90] =	vst v1;
	v1 =	vmul.f32 v41, v36  }
0x119: {  	v49 =	vld [tilespmem:s22+$0xFFFFFFC0];
	v4 =	vmul.f32 v45, v36;
	[tilespmem:s22+$0xFFFFFF70] =	vst v48  }
0x11a: {  	v3 =	vld.idx.msk [tilespmem:v14+s26+$0x0], $0xffff;
	[tilespmem:s22+$0xFFFFFF60] =	vst v1;
	v1 =	vmul.f32 v44, v36  }
0x11b: {  	v51 =	vld [tilespmem:s22+$0xFFFFFFE0];
	[tilespmem:s22+$0xFFFFFF90] =	vst v4;
	v52 =	vmul.f32 v47, v38  }
0x11c: {  	[tilespmem:s22+$0xFFFFFF80] =	vst v1;
	v1 =	vmul.f32 v2, v36;
	v2 =	vld [tilespmem:s22+$0xFFFFFFF0]  }
0x11d: {  	v53 =	vld [tilespmem:s22+$0x0];
	v55 =	vmul.f32 v50, v38;
	[tilespmem:s22+$0xFFFFFFB0] =	vst v52  }
0x11e: {  	v54 =	vld [tilespmem:s22+$0x10];
	[tilespmem:s22+$0xFFFFFFA0] =	vst v1;
	v1 =	vmul.f32 v49, v38  }
0x11f: {  	v56 =	vld [tilespmem:s22+$0x20];
	v46 =	vmul.f32 v40, v3;
	[tilespmem:s22+$0xFFFFFFD0] =	vst v55  }
0x120: {  	v57 =	vld [tilespmem:s22+$0x30];
	[tilespmem:s22+$0xFFFFFFC0] =	vst v1;
	v1 =	vmul.f32 v51, v38  }
0x121: {  	v58 =	vld [tilespmem:s22+$0x50];
	[tilespmem:s22+$0x40] =	vst v46;
	v2 =	vmul.f32 v2, v38  }
0x122: {  	v59 =	vld [tilespmem:s22+$0x60];
	[tilespmem:s22+$0xFFFFFFE0] =	vst v1;
	v1 =	vmul.f32 v53, v3  }
0x123: {  	v60 =	vld [tilespmem:s22+$0x70];
	[tilespmem:s22+$0xFFFFFFF0] =	vst v2;
	v2 =	vmul.f32 v54, v3  }
0x124: {  	v61 =	vld [tilespmem:s22+$0x80];
	[tilespmem:s22+$0x0] =	vst v1;
	v1 =	vmul.f32 v56, v3  }
0x125: {  	[tilespmem:s22+$0x10] =	vst v2;
	v2 =	vmul.f32 v57, v3;
	v3 =	vld [tilespmem:s22+$0x90]  }
0x126: {  	[tilespmem:s22+$0x20] =	vst v1;
	v1 =	vmul.f32 v58, v6  }
0x127: {  	[tilespmem:s22+$0x30] =	vst v2;
	v2 =	vmul.f32 v59, v6  }
0x128: {  	[tilespmem:s22+$0x50] =	vst v1;
	v1 =	vmul.f32 v60, v6  }
0x129: {  	[tilespmem:s22+$0x60] =	vst v2;
	v2 =	vmul.f32 v61, v6  }
0x12a: {  	[tilespmem:s22+$0x70] =	vst v1;
	v1 =	vmul.f32 v3, v6  }
0x12b: {  	[tilespmem:s22+$0x80] =	vst v2  }
0x12c: {  	[tilespmem:s22+$0x90] =	vst v1  }
0x12d: {  	v1 =	vld [tilespmem:$0x180]  }
0x12e: {  	v2 =	vld [tilespmem:$0x190]  }
0x12f: {  	v3 =	vld [tilespmem:$0x1A0]  }
0x130: {  	v62 =	vld [tilespmem:$0x1B0]  }
0x131: {  	v63 =	vld [tilespmem:$0x1C0]  }
0x132: {  	[tilespmem:$0x5380] =	vst v1;
	v1 =	vld [tilespmem:$0x1D0]  }
0x133: {  	[tilespmem:$0x5390] =	vst v2;
	v2 =	vld [tilespmem:$0x1E0]  }
0x134: {  	[tilespmem:$0x53A0] =	vst v3;
	v3 =	vld [tilespmem:$0x1F0]  }
0x135: {  	p0 =	seq.s32 s18, $0x27;
	[tilespmem:$0x53B0] =	vst v62  }
.Ltmp5:
0x136: {  	[tilespmem:$0x53C0] =	vst v63;
	(pc) =	sbr.rel @p0 .LBB2_10-.Ltmp5, $4  }
0x137: {  	[tilespmem:$0x53D0] =	vst v1  }
0x138: {  	[tilespmem:$0x53E0] =	vst v2  }
0x139: {  	[tilespmem:$0x53F0] =	vst v3  }
0x13a: {  	[spmem:s4] =	stream.indirect.scatter.add.f32 [tilespmem:s28], [sflag:$0x6], $0x50, s8, s29, $0xb8;
	[tilespmem:$0x1E400] =	vst v63  }
0x13b: {  	s11 =	sadd.s32 $0x3, s19  }
0x13c: {  	s12 =	sshll.u32 s11, $0x8  }
0x13d: {  	s11 =	sshll.u32 s11, $0x7;
	s12 =	sadd.s32 s7, s12  }
.Ltmp6:
0x13e: {  	s11 =	sadd.s32 s9, s11;
	s12 =	sshrl.u32 s12, $0x3;
	(pc) =	sbr.rel .LBB2_4-.Ltmp6, $4  }
0x13f: {  	s11 =	sshrl.u32 s11, $0x3;
	s12 =	sadd.s32 s6, s12  }
0x140: {  	[tilespmem:s25], [sflag:$0x4] =	stream.linear.gather [hbm4b:s12+s5], $0x100, $0x38;
	[tilespmem:$0x1E400] =	vst v63  }
0x141: {  	s18 =	sadd.s32 $0x1, s18;
	s11 =	sadd.s32 s2, s11  }
0x142: {  	[tilespmem:s26], [sflag:$0x4] =	stream.linear.gather [hbm4b:s11+s5], $0x80, $0x38;
	[tilespmem:$0x1E400] =	vst v63  }
.LBB2_11:
0x143: {  	_ =	sfence.sel $0x180000  }
0x144: {  	[bflag:$0x0] =	sbarrier.arrive $0xFFFF  }
0x145: {  	_ =	strace $0x9000004A  }
0x146: {  	s0 =	stileid.u32;
	[bflag:$0x2] =	sbarrier.arrive $0xFFFF  }
0x147: {  	p0 =	sne.s32 s0, $0x0;
	s0 =	rddreg [dreg:$0x4]  }
0x148: {  	s0 =	sadd.s32 @!p0 $0x100000, s0  }
0x149: {  	[sflag:s0] =	ssyncadd.tile.s32 @!p0 $0x1;
	_ =	shalt  }
.Lfunc_end2:
_tile_overlayer_lowered:
.L_overlay_start_2:
0x14a: {  	(tag) =	ssettag $0x2  }
0x14b: {  	s0 =	rddreg [dreg:$0x0];
	s2 =	stileid.u32  }
0x14c: {  	s1 =	rddreg [dreg:$0x1];
	p0 =	sne.s32 s2, $0x0  }
0x14d: {  	s3 =	rddreg [dreg:$0x2];
	[bflag:$0x3] =	sbarrier.arrive $0xFFFF;
	s2 =	simm.s32 @!p0 $0x1C07  }
0x14e: {  	[timem:s3], [sflag:s2] =	dma.local @!p0 [hbm:s0], s1  }
0x14f: {  	s0 =	simm.s32 @!p0 $0x7  }
0x150: {  	_ =	swait.ge @!p0 [sflag:s0], s1  }
0x151: {  	s1 =	ssub.s32 @!p0 $0x0, s1;
	[sflag:s0] =	ssyncset.done @!p0 $0x0  }
0x152: {  	[sflag:s0] =	ssyncadd.s32 @!p0 s1  }
0x153: {  	[bflag:$0x3] =	sbarrier.arrive $0xFFFF  }
0x154: {  	_ =	shalt  }

</sc_bundles>
